<compile_context>
chip_gen: v7x
topology: tpu7x:2x2x1
jax: 0.10.2.dev20260603
libtpu: 0.0.44.dev20260713+nightly
codegen_flags: <defaults>
</compile_context>

<pallas_src>
import dataclasses
import functools

import jax
import jax.numpy as jnp
from jax import lax
from jax.experimental import pallas as pl
from jax.experimental.pallas import tpu as pltpu
from jax.experimental.pallas import tpu_sc as plsc

_N = 50000
_E = 1600000
_H = 64
_HH = 32
_NSUB = 16
_NCORE = 2
_B = 80
_EPT = _E // _NSUB
_NBLK = _EPT // _B
_NP = 51200
_RPT = _NP // _NSUB
_RCH = 320
_BN = 2000


def _r16(x):
    return x.astype(jnp.bfloat16).astype(jnp.float32)


def _enc_body(nf_ref, we_ref, be_ref, a_ref, c_ref):
    pos = nf_ref[:, 0:2]
    we = _r16(we_ref[...])
    be = be_ref[...]
    px = _r16(pos[:, 0:1])
    py = _r16(pos[:, 1:2])
    a = px * we[0:1, :] + py * we[1:2, :]
    c = px * we[2:3, :] + py * we[3:4, :] + be
    a16 = a.astype(jnp.bfloat16)
    c16 = c.astype(jnp.bfloat16)
    a_ref[0] = a16[:, :_HH]
    a_ref[1] = a16[:, _HH:]
    c_ref[0] = c16[:, :_HH]
    c_ref[1] = c16[:, _HH:]


_enc = pl.pallas_call(
    _enc_body,
    grid=(_N // _BN,),
    in_specs=[
        pl.BlockSpec((_BN, 4), lambda i: (i, 0)),
        pl.BlockSpec((4, _H), lambda i: (0, 0)),
        pl.BlockSpec((1, _H), lambda i: (0, 0)),
    ],
    out_specs=[
        pl.BlockSpec((2, _BN, _HH), lambda i: (0, i, 0)),
        pl.BlockSpec((2, _BN, _HH), lambda i: (0, i, 0)),
    ],
    out_shape=[jax.ShapeDtypeStruct((2, _N, _HH), jnp.bfloat16)] * 2,
)


def _sc_agg_body(a_hbm, c_hbm, src_hbm, dst_hbm, out_hbm,
                 sidx0, didx0, soff0, doff0, dsc0, abuf0, cbuf0, rbuf0,
                 sidx1, didx1, soff1, doff1, dsc1, abuf1, cbuf1, rbuf1,
                 stage, agg,
                 sem_i0, sem_i1, sem_g0, sem_g1, sem_s0, sem_s1):
    cid = lax.axis_index("c")
    sid = lax.axis_index("s")
    off = cid * _N
    oof = cid * _NP
    row0 = sid * _RPT
    base0 = sid * _EPT

    sets = ((sidx0, didx0, soff0, doff0, dsc0, abuf0, cbuf0, rbuf0, sem_i0, sem_g0, sem_s0),
            (sidx1, didx1, soff1, doff1, dsc1, abuf1, cbuf1, rbuf1, sem_i1, sem_g1, sem_s1))

    @pl.loop(0, _RCH)
    def _zero_stage(b):
        stage[b, pl.ds(0, 16)] = jnp.zeros((16,), jnp.float32)
        stage[b, pl.ds(16, 16)] = jnp.zeros((16,), jnp.float32)

    @pl.loop(0, _RPT, step=_RCH)
    def _zero_agg(r):
        pltpu.sync_copy(stage, agg.at[pl.ds(row0 + r, _RCH)])

    plsc.subcore_barrier()

    def idx_fire(jb, st):
        base = base0 + jb * _B
        pltpu.async_copy(src_hbm.at[pl.ds(base, _B)], st[0], st[8])
        pltpu.async_copy(dst_hbm.at[pl.ds(base, _B)], st[1], st[8])

    def idx_wait(st):
        pltpu.make_async_copy(src_hbm.at[pl.ds(0, _B)], st[0], st[8]).wait()
        pltpu.make_async_copy(src_hbm.at[pl.ds(0, _B)], st[1], st[8]).wait()

    def offs(st):
        @plsc.parallel_loop(0, _B, step=16, unroll=5)
        def _(k):
            sl = pl.ds(k, 16)
            st[2][sl] = st[0][sl] + off
            st[3][sl] = st[1][sl] + off

    def gather_fire(st):
        pltpu.async_copy(a_hbm.at[st[2]], st[5], st[9])
        pltpu.async_copy(c_hbm.at[st[3]], st[6], st[9])

    def gather_wait(st):
        pltpu.make_async_copy(a_hbm.at[st[2]], st[5], st[9]).wait()
        pltpu.make_async_copy(c_hbm.at[st[3]], st[6], st[9]).wait()

    _MSK = jnp.int32(-65536)

    def relu_and_scatter(st):
        @plsc.parallel_loop(0, _B, unroll=4)
        def _(b):
            ai = plsc.bitcast(st[5][b, :], jnp.int32)
            ci = plsc.bitcast(st[6][b, :], jnp.int32)
            a_lo = plsc.bitcast(ai << 16, jnp.float32)
            a_hi = plsc.bitcast(ai & _MSK, jnp.float32)
            c_lo = plsc.bitcast(ci << 16, jnp.float32)
            c_hi = plsc.bitcast(ci & _MSK, jnp.float32)
            st[7][b, pl.ds(0, 16)] = jnp.maximum(a_lo + c_lo, 0.0)
            st[7][b, pl.ds(16, 16)] = jnp.maximum(a_hi + c_hi, 0.0)

        @plsc.parallel_loop(0, _B, step=16, unroll=5)
        def _(k):
            sl = pl.ds(k, 16)
            st[4][sl] = st[1][sl]

        pltpu.async_copy(st[7], agg.at[st[4]], st[10], add=True)

    def scat_wait(st):
        pltpu.make_async_copy(st[7], agg.at[st[4]], st[10]).wait()

    idx_fire(0, sets[0])
    idx_wait(sets[0])
    offs(sets[0])
    gather_fire(sets[0])
    idx_fire(1, sets[1])

    @pl.loop(0, _NBLK, step=2)
    def _pair(j2):
        for s in range(2):
            jb = j2 + s
            cur = sets[s]
            nxt = sets[1 - s]

            @pl.when(jb + 1 < _NBLK)
            def _prep_next():
                idx_wait(nxt)
                offs(nxt)
                gather_fire(nxt)

            gather_wait(cur)

            @pl.when(jb >= 2)
            def _():
                scat_wait(cur)

            relu_and_scatter(cur)

            @pl.when(jb + 2 < _NBLK)
            def _prefetch_idx():
                idx_fire(jb + 2, cur)

    scat_wait(sets[0])
    scat_wait(sets[1])
    plsc.subcore_barrier()

    @pl.loop(0, _RPT, step=_RCH)
    def _writeout(r):
        pltpu.sync_copy(agg.at[pl.ds(row0 + r, _RCH)], stage)
        pltpu.sync_copy(stage, out_hbm.at[pl.ds(oof + row0 + r, _RCH)])


@functools.cache
def _get_sc_agg():
    mesh = plsc.VectorSubcoreMesh(core_axis_name="c", subcore_axis_name="s")
    return pl.kernel(
        _sc_agg_body,
        mesh=mesh,
        compiler_params=dataclasses.replace(
            pltpu.CompilerParams(use_tc_tiling_on_sc=False),
            needs_layout_passes=False),
        out_type=jax.ShapeDtypeStruct((_NCORE * _NP, _HH), jnp.float32),
        scratch_types=(
            ([pltpu.VMEM((_B,), jnp.int32)] * 5
             + [pltpu.VMEM((_B, _HH), jnp.bfloat16)] * 2
             + [pltpu.VMEM((_B, _HH), jnp.float32)]) * 2
            + [pltpu.VMEM((_RCH, _HH), jnp.float32)]
            + [pltpu.VMEM_SHARED((_NP, _HH), jnp.float32)]
            + [pltpu.SemaphoreType.DMA] * 6
        ),
    )


def _dec_body(nf_ref, agg_ref, wp_ref, bp_ref, wv_ref, bv_ref,
              wproc_ref, bproc_ref, wd_ref, bd_ref, o_ref):
    nf = nf_ref[...]
    px = _r16(nf[:, 0:1])
    py = _r16(nf[:, 1:2])
    vx = _r16(nf[:, 2:3])
    vy = _r16(nf[:, 3:4])
    wp = _r16(wp_ref[...])
    wv = _r16(wv_ref[...])
    ph = jnp.maximum(px * wp[0:1, :] + py * wp[1:2, :] + bp_ref[...], 0.0)
    vh = jnp.maximum(vx * wv[0:1, :] + vy * wv[1:2, :] + bv_ref[...], 0.0)
    agg = jnp.concatenate([agg_ref[0], agg_ref[1]], axis=1)
    wproc = wproc_ref[...].astype(jnp.bfloat16)
    h = jnp.dot(ph.astype(jnp.bfloat16), wproc[0:_H],
                preferred_element_type=jnp.float32)
    h = h + jnp.dot(vh.astype(jnp.bfloat16), wproc[_H:2 * _H],
                    preferred_element_type=jnp.float32)
    h = h + jnp.dot(agg.astype(jnp.bfloat16), wproc[2 * _H:3 * _H],
                    preferred_element_type=jnp.float32)
    h = jnp.maximum(h + bproc_ref[...], 0.0)
    o_ref[...] = jnp.dot(h.astype(jnp.bfloat16), wd_ref[...].astype(jnp.bfloat16),
                         preferred_element_type=jnp.float32) + bd_ref[...]


_dec = pl.pallas_call(
    _dec_body,
    grid=(_N // _BN,),
    in_specs=[
        pl.BlockSpec((_BN, 4), lambda i: (i, 0)),
        pl.BlockSpec((2, _BN, _HH), lambda i: (0, i, 0)),
        pl.BlockSpec((2, _H), lambda i: (0, 0)),
        pl.BlockSpec((1, _H), lambda i: (0, 0)),
        pl.BlockSpec((2, _H), lambda i: (0, 0)),
        pl.BlockSpec((1, _H), lambda i: (0, 0)),
        pl.BlockSpec((3 * _H, _H), lambda i: (0, 0)),
        pl.BlockSpec((1, _H), lambda i: (0, 0)),
        pl.BlockSpec((_H, 4), lambda i: (0, 0)),
        pl.BlockSpec((1, 4), lambda i: (0, 0)),
    ],
    out_specs=pl.BlockSpec((_BN, 4), lambda i: (i, 0)),
    out_shape=jax.ShapeDtypeStruct((_N, 4), jnp.float32),
)


def kernel(node_f, edge_index, W_pos, b_pos, W_vel, b_vel, W_edge, b_edge,
           W_proc, b_proc, W_pdec, b_pdec, W_vdec, b_vdec):
    a_tbl, c_tbl = _enc(node_f, W_edge, b_edge.reshape(1, _H))
    agg = _get_sc_agg()(
        a_tbl.reshape(_NCORE * _N, _HH),
        c_tbl.reshape(_NCORE * _N, _HH),
        edge_index[0],
        edge_index[1],
    )
    wd = jnp.concatenate([W_pdec, W_vdec], axis=1)
    bd = jnp.concatenate([b_pdec, b_vdec]).reshape(1, 4)
    perm = [h * _HH + (2 * k if k < 16 else 2 * (k - 16) + 1)
            for h in range(2) for k in range(_HH)]
    wproc_adj = jnp.concatenate(
        [W_proc[:2 * _H], W_proc[2 * _H:][jnp.array(perm)]], axis=0)
    return _dec(node_f, agg.reshape(_NCORE, _NP, _HH)[:, :_N, :],
                W_pos, b_pos.reshape(1, _H), W_vel, b_vel.reshape(1, _H),
                wproc_adj, b_proc.reshape(1, _H), wd, bd)

# --- scband reference (transcript-rebuilt; emitter-appended) ---
"""Pipeline reference for scband-spring-model-58085137711762 (READ-ONLY COPY).

The authoritative reference and input builder live on the scoring server;
editing this copy changes nothing except your own understanding.
"""

import jax, jax.numpy as jnp
import numpy as np

N = 50000
E = 1600000
HID = 64

def _glorot(k, shape):
    return jax.random.normal(k, shape, dtype=jnp.float32) * jnp.sqrt(2.0 / (shape[0] + shape[1]))

def setup_inputs(seed: int = 0) -> dict:
    key = jax.random.key(seed)
    ks = jax.random.split(key, 16)
    inp = {}
    inp["node_f"] = jax.random.normal(ks[0], (N, 4), dtype=jnp.float32)
    inp["edge_index"] = jax.random.randint(ks[1], (2, E), 0, N)
    inp["W_pos"] = _glorot(ks[2], (2, HID)); inp["b_pos"] = jnp.zeros((HID,), jnp.float32)
    inp["W_vel"] = _glorot(ks[3], (2, HID)); inp["b_vel"] = jnp.zeros((HID,), jnp.float32)
    inp["W_edge"] = _glorot(ks[4], (4, HID)); inp["b_edge"] = jnp.zeros((HID,), jnp.float32)
    inp["W_proc"] = _glorot(ks[5], (3 * HID, HID)); inp["b_proc"] = jnp.zeros((HID,), jnp.float32)
    inp["W_pdec"] = _glorot(ks[6], (HID, 2)); inp["b_pdec"] = jnp.zeros((2,), jnp.float32)
    inp["W_vdec"] = _glorot(ks[7], (HID, 2)); inp["b_vdec"] = jnp.zeros((2,), jnp.float32)
    return inp

def reference(node_f, edge_index, W_pos, b_pos, W_vel, b_vel, W_edge, b_edge, W_proc, b_proc, W_pdec, b_pdec, W_vdec, b_vdec):
    pos = node_f[:, :2]
    vel = node_f[:, 2:]
    src = edge_index[0]
    dst = edge_index[1]
    edge_in_feat = jnp.concatenate((pos[src], pos[dst]), axis=1)
    pos_hid = jax.nn.relu(pos @ W_pos + b_pos)
    vel_hid = jax.nn.relu(vel @ W_vel + b_vel)
    edge_hid = jax.nn.relu(edge_in_feat @ W_edge + b_edge)
    neighbor_aggs_hid = jax.ops.segment_sum(edge_hid, dst, num_segments=node_f.shape[0])
    node_hidden = jax.nn.relu(jnp.concatenate((pos_hid, vel_hid, neighbor_aggs_hid), axis=1) @ W_proc + b_proc)
    pos_hat = node_hidden @ W_pdec + b_pdec
    vel_hat = node_hidden @ W_vdec + b_vdec
    return jnp.concatenate((pos_hat, vel_hat), axis=1)

if __name__ == "__main__":
    import jax
    _d = setup_inputs()
    print(jax.jit(kernel)(*tuple(_d.values())))

</pallas_src>

<mosaic_0001>
#map = affine_map<(d0, d1) -> (0, 0)>
#map1 = affine_map<(d0, d1) -> (0)>
module attributes {stable_mosaic.version = 14 : i64} {
  func.func @_sc_agg_body(%arg0: i32, %arg1: i32, %arg2: memref<100000x32xbf16, #tpu.memory_space<hbm>>, %arg3: memref<100000x32xbf16, #tpu.memory_space<hbm>>, %arg4: memref<1600000xi32, #tpu.memory_space<hbm>>, %arg5: memref<1600000xi32, #tpu.memory_space<hbm>>, %arg6: memref<102400x32xf32, #tpu.memory_space<hbm>>, %arg7: memref<80xi32, #tpu.memory_space<vmem>>, %arg8: memref<80xi32, #tpu.memory_space<vmem>>, %arg9: memref<80xi32, #tpu.memory_space<vmem>>, %arg10: memref<80xi32, #tpu.memory_space<vmem>>, %arg11: memref<80xi32, #tpu.memory_space<vmem>>, %arg12: memref<80x32xbf16, #tpu.memory_space<vmem>>, %arg13: memref<80x32xbf16, #tpu.memory_space<vmem>>, %arg14: memref<80x32xf32, #tpu.memory_space<vmem>>, %arg15: memref<80xi32, #tpu.memory_space<vmem>>, %arg16: memref<80xi32, #tpu.memory_space<vmem>>, %arg17: memref<80xi32, #tpu.memory_space<vmem>>, %arg18: memref<80xi32, #tpu.memory_space<vmem>>, %arg19: memref<80xi32, #tpu.memory_space<vmem>>, %arg20: memref<80x32xbf16, #tpu.memory_space<vmem>>, %arg21: memref<80x32xbf16, #tpu.memory_space<vmem>>, %arg22: memref<80x32xf32, #tpu.memory_space<vmem>>, %arg23: memref<320x32xf32, #tpu.memory_space<vmem>>, %arg24: memref<51200x32xf32, #tpu.memory_space<vmem_shared>>, %arg25: memref<!tpu.dma_semaphore, #tpu.memory_space<semaphore_mem>>, %arg26: memref<!tpu.dma_semaphore, #tpu.memory_space<semaphore_mem>>, %arg27: memref<!tpu.dma_semaphore, #tpu.memory_space<semaphore_mem>>, %arg28: memref<!tpu.dma_semaphore, #tpu.memory_space<semaphore_mem>>, %arg29: memref<!tpu.dma_semaphore, #tpu.memory_space<semaphore_mem>>, %arg30: memref<!tpu.dma_semaphore, #tpu.memory_space<semaphore_mem>>) attributes {dimension_semantics = [#tpu.dimension_semantics<core_parallel>, #tpu.dimension_semantics<subcore_parallel>], iteration_bounds = array<i64: 2, 16>, scalar_prefetch = 0 : i64, scratch_operands = 24 : i64, tpu.core_type = #tpu.core_type<sc_vector_subcore>, window_params = [{transform_indices = #map}, {transform_indices = #map}, {transform_indices = #map1}, {transform_indices = #map1}, {transform_indices = #map}]} {
    %mul3A = arith.constant 50000 : i32
    %mul3A_0 = arith.muli %arg0, %mul3A : i32
    %mul3A_1 = arith.constant 51200 : i32
    %mul3A_2 = arith.muli %arg0, %mul3A_1 : i32
    %mul3A_3 = arith.constant 3200 : i32
    %mul3A_4 = arith.muli %arg1, %mul3A_3 : i32
    %mul3A_5 = arith.constant 100000 : i32
    %mul3A_6 = arith.muli %arg1, %mul3A_5 : i32
    %scan3A = arith.constant 0 : i32
    %scan3A_7 = arith.constant 320 : i32
    %scan3A_8 = arith.addi %scan3A, %scan3A_7 : i32
    %scan3A_9 = arith.constant 1 : i32
    scf.for %scan3A_59 = %scan3A to %scan3A_8 step %scan3A_9  : i32 {
      %mul3A_60 = arith.constant 1 : i32
      %mul3A_61 = arith.muli %scan3A_59, %mul3A_60 : i32
      %add3A_62 = arith.constant 0 : i32
      %add3A_63 = arith.addi %add3A_62, %mul3A_61 : i32
      %broadcast_in_dim3A = arith.constant 0.000000e+00 : f32
      %broadcast_in_dim3A_64 = vector.broadcast %broadcast_in_dim3A : f32 to vector<16xf32>
      %swap3A = arith.index_cast %add3A_63 : i32 to index
      %swap3A_65 = arith.constant 0 : index
      %swap3A_66 = tpu.vector_load %arg23[%swap3A, %swap3A_65] {strides = array<i32>} : memref<320x32xf32, #tpu.memory_space<vmem>>, vector<16xf32>,
      tpu.vector_store %arg23[%swap3A, %swap3A_65], %broadcast_in_dim3A_64 {strides = array<i32>} : memref<320x32xf32, #tpu.memory_space<vmem>>, vector<16xf32>,
      %broadcast_in_dim3A_67 = arith.constant 0.000000e+00 : f32
      %broadcast_in_dim3A_68 = vector.broadcast %broadcast_in_dim3A_67 : f32 to vector<16xf32>
      %swap3A_69 = arith.index_cast %add3A_63 : i32 to index
      %swap3A_70 = arith.constant 16 : index
      %swap3A_71 = tpu.vector_load %arg23[%swap3A_69, %swap3A_70] {strides = array<i32>} : memref<320x32xf32, #tpu.memory_space<vmem>>, vector<16xf32>,
      tpu.vector_store %arg23[%swap3A_69, %swap3A_70], %broadcast_in_dim3A_68 {strides = array<i32>} : memref<320x32xf32, #tpu.memory_space<vmem>>, vector<16xf32>,
    }
    %scan3A_10 = arith.constant 320 : i32
    %scan3A_11 = arith.constant 0 : i32
    %scan3A_12 = arith.constant 10 : i32
    %scan3A_13 = arith.addi %scan3A_11, %scan3A_12 : i32
    %scan3A_14 = arith.constant 1 : i32
    scf.for %scan3A_59 = %scan3A_11 to %scan3A_13 step %scan3A_14  : i32 {
      %mul3A_60 = arith.constant 320 : i32
      %mul3A_61 = arith.muli %scan3A_59, %mul3A_60 : i32
      %add3A_62 = arith.constant 0 : i32
      %add3A_63 = arith.addi %add3A_62, %mul3A_61 : i32
      %add3A_64 = arith.addi %mul3A_4, %add3A_63 : i32
      "tpu.region"() ({
        %run_scoped3A = tpu.sem_alloc : memref<!tpu.dma_semaphore, #tpu.memory_space<semaphore_mem>>
        %dma_start3A_65 = arith.constant 0 : i32
        %dma_start3A_66 = tpu.memref_slice %arg24[%add3A_64, %dma_start3A_65] : memref<51200x32xf32, #tpu.memory_space<vmem_shared>> -> memref<320x32xf32, #tpu.memory_space<vmem_shared>>
        %dma_start3A_67 = arith.constant 0 : i32
        %dma_start3A_68 = tpu.memref_slice %arg24[%add3A_64, %dma_start3A_67] : memref<51200x32xf32, #tpu.memory_space<vmem_shared>> -> memref<320x32xf32, #tpu.memory_space<vmem_shared>>
        tpu.enqueue_dma source(%arg23 : memref<320x32xf32, #tpu.memory_space<vmem>>) target(%dma_start3A_68 : memref<320x32xf32, #tpu.memory_space<vmem_shared>>) target_semaphore(%run_scoped3A : memref<!tpu.dma_semaphore, #tpu.memory_space<semaphore_mem>>)
        %dma_wait3A_69 = arith.constant 0 : i32
        %dma_wait3A_70 = tpu.memref_slice %arg24[%add3A_64, %dma_wait3A_69] : memref<51200x32xf32, #tpu.memory_space<vmem_shared>> -> memref<320x32xf32, #tpu.memory_space<vmem_shared>>
        %dma_wait3A_71 = arith.constant 0 : i32
        %dma_wait3A_72 = tpu.memref_slice %arg24[%add3A_64, %dma_wait3A_71] : memref<51200x32xf32, #tpu.memory_space<vmem_shared>> -> memref<320x32xf32, #tpu.memory_space<vmem_shared>>
        tpu.wait_dma2 semaphore(%run_scoped3A : memref<!tpu.dma_semaphore, #tpu.memory_space<semaphore_mem>>) src(%arg23 : memref<320x32xf32, #tpu.memory_space<vmem>>) dst(%dma_wait3A_72 : memref<320x32xf32, #tpu.memory_space<vmem_shared>>)
        tpu.yield
      }) : () -> ()
    }
    %scan3A_15 = arith.constant 10 : i32
    %barrier3A = arith.constant 0 : index
    tpu.barrier barrier_id(%barrier3A)
    %add3A = arith.constant 0 : i32
    %add3A_16 = arith.addi %mul3A_6, %add3A : i32
    %dma_start3A = tpu.memref_slice %arg4[%add3A_16] : memref<1600000xi32, #tpu.memory_space<hbm>> -> memref<80xi32, #tpu.memory_space<hbm>>
    %dma_start3A_17 = tpu.memref_slice %arg4[%add3A_16] : memref<1600000xi32, #tpu.memory_space<hbm>> -> memref<80xi32, #tpu.memory_space<hbm>>
    tpu.enqueue_dma source(%dma_start3A_17 : memref<80xi32, #tpu.memory_space<hbm>>) target(%arg7 : memref<80xi32, #tpu.memory_space<vmem>>) target_semaphore(%arg25 : memref<!tpu.dma_semaphore, #tpu.memory_space<semaphore_mem>>)
    %dma_start3A_18 = tpu.memref_slice %arg5[%add3A_16] : memref<1600000xi32, #tpu.memory_space<hbm>> -> memref<80xi32, #tpu.memory_space<hbm>>
    %dma_start3A_19 = tpu.memref_slice %arg5[%add3A_16] : memref<1600000xi32, #tpu.memory_space<hbm>> -> memref<80xi32, #tpu.memory_space<hbm>>
    tpu.enqueue_dma source(%dma_start3A_19 : memref<80xi32, #tpu.memory_space<hbm>>) target(%arg8 : memref<80xi32, #tpu.memory_space<vmem>>) target_semaphore(%arg25 : memref<!tpu.dma_semaphore, #tpu.memory_space<semaphore_mem>>)
    %dma_wait3A = arith.constant 0 : i32
    %dma_wait3A_20 = tpu.memref_slice %arg4[%dma_wait3A] : memref<1600000xi32, #tpu.memory_space<hbm>> -> memref<80xi32, #tpu.memory_space<hbm>>
    %dma_wait3A_21 = arith.constant 0 : i32
    %dma_wait3A_22 = tpu.memref_slice %arg4[%dma_wait3A_21] : memref<1600000xi32, #tpu.memory_space<hbm>> -> memref<80xi32, #tpu.memory_space<hbm>>
    tpu.wait_dma2 semaphore(%arg25 : memref<!tpu.dma_semaphore, #tpu.memory_space<semaphore_mem>>) src(%dma_wait3A_22 : memref<80xi32, #tpu.memory_space<hbm>>) dst(%arg7 : memref<80xi32, #tpu.memory_space<vmem>>)
    %dma_wait3A_23 = arith.constant 0 : i32
    %dma_wait3A_24 = tpu.memref_slice %arg4[%dma_wait3A_23] : memref<1600000xi32, #tpu.memory_space<hbm>> -> memref<80xi32, #tpu.memory_space<hbm>>
    %dma_wait3A_25 = arith.constant 0 : i32
    %dma_wait3A_26 = tpu.memref_slice %arg4[%dma_wait3A_25] : memref<1600000xi32, #tpu.memory_space<hbm>> -> memref<80xi32, #tpu.memory_space<hbm>>
    tpu.wait_dma2 semaphore(%arg25 : memref<!tpu.dma_semaphore, #tpu.memory_space<semaphore_mem>>) src(%dma_wait3A_26 : memref<80xi32, #tpu.memory_space<hbm>>) dst(%arg8 : memref<80xi32, #tpu.memory_space<vmem>>)
    %parallel_loop3A = arith.constant 0 : i32
    %parallel_loop3A_27 = arith.constant 80 : i32
    %parallel_loop3A_28 = arith.constant 16 : i32
    scf.for %parallel_loop3A_59 = %parallel_loop3A to %parallel_loop3A_27 step %parallel_loop3A_28  : i32 {
      %parallel_loop3A_60 = arith.index_cast %parallel_loop3A_59 : i32 to index
      %parallel_loop3A_61 = tpu.vector_load %arg7[%parallel_loop3A_60] {strides = array<i32>} : memref<80xi32, #tpu.memory_space<vmem>>, vector<16xi32>,
      %parallel_loop3A_62 = vector.broadcast %mul3A_0 : i32 to vector<16xi32>
      %parallel_loop3A_63 = arith.addi %parallel_loop3A_61, %parallel_loop3A_62 : vector<16xi32>
      %parallel_loop3A_64 = arith.index_cast %parallel_loop3A_59 : i32 to index
      %parallel_loop3A_65 = tpu.vector_load %arg9[%parallel_loop3A_64] {strides = array<i32>} : memref<80xi32, #tpu.memory_space<vmem>>, vector<16xi32>,
      tpu.vector_store %arg9[%parallel_loop3A_64], %parallel_loop3A_63 {strides = array<i32>} : memref<80xi32, #tpu.memory_space<vmem>>, vector<16xi32>,
      %parallel_loop3A_66 = arith.index_cast %parallel_loop3A_59 : i32 to index
      %parallel_loop3A_67 = tpu.vector_load %arg8[%parallel_loop3A_66] {strides = array<i32>} : memref<80xi32, #tpu.memory_space<vmem>>, vector<16xi32>,
      %parallel_loop3A_68 = vector.broadcast %mul3A_0 : i32 to vector<16xi32>
      %parallel_loop3A_69 = arith.addi %parallel_loop3A_67, %parallel_loop3A_68 : vector<16xi32>
      %parallel_loop3A_70 = arith.index_cast %parallel_loop3A_59 : i32 to index
      %parallel_loop3A_71 = tpu.vector_load %arg10[%parallel_loop3A_70] {strides = array<i32>} : memref<80xi32, #tpu.memory_space<vmem>>, vector<16xi32>,
      tpu.vector_store %arg10[%parallel_loop3A_70], %parallel_loop3A_69 {strides = array<i32>} : memref<80xi32, #tpu.memory_space<vmem>>, vector<16xi32>,
    } {sc.loop_unroll_factor = 5 : i64, sc.parallel_access}
    %dma_start3A_29 = arith.constant 0 : i32
    %dma_start3A_30 = arith.constant 0 : i32
    %dma_start3A_31 = tpu.memref_slice %arg2[%dma_start3A_29, %dma_start3A_30] : memref<100000x32xbf16, #tpu.memory_space<hbm>> -> memref<100000x32xbf16, #tpu.memory_space<hbm>>
    tpu.enqueue_indirect_dma source(%dma_start3A_31 : memref<100000x32xbf16, #tpu.memory_space<hbm>>) target(%arg12 : memref<80x32xbf16, #tpu.memory_space<vmem>>) offsets(%arg9 : memref<80xi32, #tpu.memory_space<vmem>>) semaphore(%arg27 : memref<!tpu.dma_semaphore, #tpu.memory_space<semaphore_mem>>)
    %dma_start3A_32 = arith.constant 0 : i32
    %dma_start3A_33 = arith.constant 0 : i32
    %dma_start3A_34 = tpu.memref_slice %arg3[%dma_start3A_32, %dma_start3A_33] : memref<100000x32xbf16, #tpu.memory_space<hbm>> -> memref<100000x32xbf16, #tpu.memory_space<hbm>>
    tpu.enqueue_indirect_dma source(%dma_start3A_34 : memref<100000x32xbf16, #tpu.memory_space<hbm>>) target(%arg13 : memref<80x32xbf16, #tpu.memory_space<vmem>>) offsets(%arg10 : memref<80xi32, #tpu.memory_space<vmem>>) semaphore(%arg27 : memref<!tpu.dma_semaphore, #tpu.memory_space<semaphore_mem>>)
    %add3A_35 = arith.constant 80 : i32
    %add3A_36 = arith.addi %mul3A_6, %add3A_35 : i32
    %dma_start3A_37 = tpu.memref_slice %arg4[%add3A_36] : memref<1600000xi32, #tpu.memory_space<hbm>> -> memref<80xi32, #tpu.memory_space<hbm>>
    %dma_start3A_38 = tpu.memref_slice %arg4[%add3A_36] : memref<1600000xi32, #tpu.memory_space<hbm>> -> memref<80xi32, #tpu.memory_space<hbm>>
    tpu.enqueue_dma source(%dma_start3A_38 : memref<80xi32, #tpu.memory_space<hbm>>) target(%arg15 : memref<80xi32, #tpu.memory_space<vmem>>) target_semaphore(%arg26 : memref<!tpu.dma_semaphore, #tpu.memory_space<semaphore_mem>>)
    %dma_start3A_39 = tpu.memref_slice %arg5[%add3A_36] : memref<1600000xi32, #tpu.memory_space<hbm>> -> memref<80xi32, #tpu.memory_space<hbm>>
    %dma_start3A_40 = tpu.memref_slice %arg5[%add3A_36] : memref<1600000xi32, #tpu.memory_space<hbm>> -> memref<80xi32, #tpu.memory_space<hbm>>
    tpu.enqueue_dma source(%dma_start3A_40 : memref<80xi32, #tpu.memory_space<hbm>>) target(%arg16 : memref<80xi32, #tpu.memory_space<vmem>>) target_semaphore(%arg26 : memref<!tpu.dma_semaphore, #tpu.memory_space<semaphore_mem>>)
    %scan3A_41 = arith.constant -65536 : i32
    %scan3A_42 = arith.constant 0 : i32
    %scan3A_43 = arith.constant 625 : i32
    %scan3A_44 = arith.addi %scan3A_42, %scan3A_43 : i32
    %scan3A_45 = arith.constant 1 : i32
    scf.for %scan3A_59 = %scan3A_42 to %scan3A_44 step %scan3A_45  : i32 {
      %mul3A_60 = arith.constant 2 : i32
      %mul3A_61 = arith.muli %scan3A_59, %mul3A_60 : i32
      %add3A_62 = arith.constant 0 : i32
      %add3A_63 = arith.addi %add3A_62, %mul3A_61 : i32
      %add3A_64 = arith.constant 0 : i32
      %add3A_65 = arith.addi %add3A_63, %add3A_64 : i32
      %add3A_66 = arith.constant 1 : i32
      %add3A_67 = arith.addi %add3A_65, %add3A_66 : i32
      %lt3A = arith.constant 1250 : i32
      %lt3A_68 = arith.cmpi slt, %add3A_67, %lt3A : i32
      %convert_element_type3A = arith.extui %lt3A_68 : i1 to i32
      %cond3A = arith.constant 0 : i32
      %cond3A_69 = arith.cmpi ne, %convert_element_type3A, %cond3A : i32
      scf.if %cond3A_69 {
        %dma_wait3A_132 = arith.constant 0 : i32
        %dma_wait3A_133 = tpu.memref_slice %arg4[%dma_wait3A_132] : memref<1600000xi32, #tpu.memory_space<hbm>> -> memref<80xi32, #tpu.memory_space<hbm>>
        %dma_wait3A_134 = arith.constant 0 : i32
        %dma_wait3A_135 = tpu.memref_slice %arg4[%dma_wait3A_134] : memref<1600000xi32, #tpu.memory_space<hbm>> -> memref<80xi32, #tpu.memory_space<hbm>>
        tpu.wait_dma2 semaphore(%arg26 : memref<!tpu.dma_semaphore, #tpu.memory_space<semaphore_mem>>) src(%dma_wait3A_135 : memref<80xi32, #tpu.memory_space<hbm>>) dst(%arg15 : memref<80xi32, #tpu.memory_space<vmem>>)
        %dma_wait3A_136 = arith.constant 0 : i32
        %dma_wait3A_137 = tpu.memref_slice %arg4[%dma_wait3A_136] : memref<1600000xi32, #tpu.memory_space<hbm>> -> memref<80xi32, #tpu.memory_space<hbm>>
        %dma_wait3A_138 = arith.constant 0 : i32
        %dma_wait3A_139 = tpu.memref_slice %arg4[%dma_wait3A_138] : memref<1600000xi32, #tpu.memory_space<hbm>> -> memref<80xi32, #tpu.memory_space<hbm>>
        tpu.wait_dma2 semaphore(%arg26 : memref<!tpu.dma_semaphore, #tpu.memory_space<semaphore_mem>>) src(%dma_wait3A_139 : memref<80xi32, #tpu.memory_space<hbm>>) dst(%arg16 : memref<80xi32, #tpu.memory_space<vmem>>)
        %parallel_loop3A_140 = arith.constant 0 : i32
        %parallel_loop3A_141 = arith.constant 80 : i32
        %parallel_loop3A_142 = arith.constant 16 : i32
        scf.for %parallel_loop3A_149 = %parallel_loop3A_140 to %parallel_loop3A_141 step %parallel_loop3A_142  : i32 {
          %parallel_loop3A_150 = arith.index_cast %parallel_loop3A_149 : i32 to index
          %parallel_loop3A_151 = tpu.vector_load %arg15[%parallel_loop3A_150] {strides = array<i32>} : memref<80xi32, #tpu.memory_space<vmem>>, vector<16xi32>,
          %parallel_loop3A_152 = vector.broadcast %mul3A_0 : i32 to vector<16xi32>
          %parallel_loop3A_153 = arith.addi %parallel_loop3A_151, %parallel_loop3A_152 : vector<16xi32>
          %parallel_loop3A_154 = arith.index_cast %parallel_loop3A_149 : i32 to index
          %parallel_loop3A_155 = tpu.vector_load %arg17[%parallel_loop3A_154] {strides = array<i32>} : memref<80xi32, #tpu.memory_space<vmem>>, vector<16xi32>,
          tpu.vector_store %arg17[%parallel_loop3A_154], %parallel_loop3A_153 {strides = array<i32>} : memref<80xi32, #tpu.memory_space<vmem>>, vector<16xi32>,
          %parallel_loop3A_156 = arith.index_cast %parallel_loop3A_149 : i32 to index
          %parallel_loop3A_157 = tpu.vector_load %arg16[%parallel_loop3A_156] {strides = array<i32>} : memref<80xi32, #tpu.memory_space<vmem>>, vector<16xi32>,
          %parallel_loop3A_158 = vector.broadcast %mul3A_0 : i32 to vector<16xi32>
          %parallel_loop3A_159 = arith.addi %parallel_loop3A_157, %parallel_loop3A_158 : vector<16xi32>
          %parallel_loop3A_160 = arith.index_cast %parallel_loop3A_149 : i32 to index
          %parallel_loop3A_161 = tpu.vector_load %arg18[%parallel_loop3A_160] {strides = array<i32>} : memref<80xi32, #tpu.memory_space<vmem>>, vector<16xi32>,
          tpu.vector_store %arg18[%parallel_loop3A_160], %parallel_loop3A_159 {strides = array<i32>} : memref<80xi32, #tpu.memory_space<vmem>>, vector<16xi32>,
        } {sc.loop_unroll_factor = 5 : i64, sc.parallel_access}
        %dma_start3A_143 = arith.constant 0 : i32
        %dma_start3A_144 = arith.constant 0 : i32
        %dma_start3A_145 = tpu.memref_slice %arg2[%dma_start3A_143, %dma_start3A_144] : memref<100000x32xbf16, #tpu.memory_space<hbm>> -> memref<100000x32xbf16, #tpu.memory_space<hbm>>
        tpu.enqueue_indirect_dma source(%dma_start3A_145 : memref<100000x32xbf16, #tpu.memory_space<hbm>>) target(%arg20 : memref<80x32xbf16, #tpu.memory_space<vmem>>) offsets(%arg17 : memref<80xi32, #tpu.memory_space<vmem>>) semaphore(%arg28 : memref<!tpu.dma_semaphore, #tpu.memory_space<semaphore_mem>>)
        %dma_start3A_146 = arith.constant 0 : i32
        %dma_start3A_147 = arith.constant 0 : i32
        %dma_start3A_148 = tpu.memref_slice %arg3[%dma_start3A_146, %dma_start3A_147] : memref<100000x32xbf16, #tpu.memory_space<hbm>> -> memref<100000x32xbf16, #tpu.memory_space<hbm>>
        tpu.enqueue_indirect_dma source(%dma_start3A_148 : memref<100000x32xbf16, #tpu.memory_space<hbm>>) target(%arg21 : memref<80x32xbf16, #tpu.memory_space<vmem>>) offsets(%arg18 : memref<80xi32, #tpu.memory_space<vmem>>) semaphore(%arg28 : memref<!tpu.dma_semaphore, #tpu.memory_space<semaphore_mem>>)
      } else {
      }
      %dma_wait3A_70 = arith.constant 0 : i32
      %dma_wait3A_71 = arith.constant 0 : i32
      %dma_wait3A_72 = tpu.memref_slice %arg2[%dma_wait3A_70, %dma_wait3A_71] : memref<100000x32xbf16, #tpu.memory_space<hbm>> -> memref<100000x32xbf16, #tpu.memory_space<hbm>>
      tpu.wait_indirect_dma semaphore(%arg27 : memref<!tpu.dma_semaphore, #tpu.memory_space<semaphore_mem>>) src(%dma_wait3A_72 : memref<100000x32xbf16, #tpu.memory_space<hbm>>) dst(%arg12 : memref<80x32xbf16, #tpu.memory_space<vmem>>)
      %dma_wait3A_73 = arith.constant 0 : i32
      %dma_wait3A_74 = arith.constant 0 : i32
      %dma_wait3A_75 = tpu.memref_slice %arg3[%dma_wait3A_73, %dma_wait3A_74] : memref<100000x32xbf16, #tpu.memory_space<hbm>> -> memref<100000x32xbf16, #tpu.memory_space<hbm>>
      tpu.wait_indirect_dma semaphore(%arg27 : memref<!tpu.dma_semaphore, #tpu.memory_space<semaphore_mem>>) src(%dma_wait3A_75 : memref<100000x32xbf16, #tpu.memory_space<hbm>>) dst(%arg13 : memref<80x32xbf16, #tpu.memory_space<vmem>>)
      %ge3A = arith.constant 2 : i32
      %ge3A_76 = arith.cmpi sge, %add3A_65, %ge3A : i32
      %convert_element_type3A_77 = arith.extui %ge3A_76 : i1 to i32
      %cond3A_78 = arith.constant 0 : i32
      %cond3A_79 = arith.cmpi ne, %convert_element_type3A_77, %cond3A_78 : i32
      scf.if %cond3A_79 {
        %dma_wait3A_132 = arith.constant 0 : i32
        %dma_wait3A_133 = arith.constant 0 : i32
        %dma_wait3A_134 = tpu.memref_slice %arg24[%dma_wait3A_132, %dma_wait3A_133] : memref<51200x32xf32, #tpu.memory_space<vmem_shared>> -> memref<51200x32xf32, #tpu.memory_space<vmem_shared>>
        tpu.wait_indirect_dma semaphore(%arg29 : memref<!tpu.dma_semaphore, #tpu.memory_space<semaphore_mem>>) src(%arg14 : memref<80x32xf32, #tpu.memory_space<vmem>>) dst(%dma_wait3A_134 : memref<51200x32xf32, #tpu.memory_space<vmem_shared>>)
      } else {
      }
      %parallel_loop3A_80 = arith.constant 0 : i32
      %parallel_loop3A_81 = arith.constant 80 : i32
      %parallel_loop3A_82 = arith.constant 1 : i32
      scf.for %parallel_loop3A_132 = %parallel_loop3A_80 to %parallel_loop3A_81 step %parallel_loop3A_82  : i32 {
        %parallel_loop3A_133 = arith.index_cast %parallel_loop3A_132 : i32 to index
        %parallel_loop3A_134 = arith.constant 0 : index
        %parallel_loop3A_135 = tpu.vector_load %arg12[%parallel_loop3A_133, %parallel_loop3A_134] {strides = array<i32>} : memref<80x32xbf16, #tpu.memory_space<vmem>>, vector<32xbf16>,
        %parallel_loop3A_136 = vector.bitcast %parallel_loop3A_135 : vector<32xbf16> to vector<16xi32>
        %parallel_loop3A_137 = arith.index_cast %parallel_loop3A_132 : i32 to index
        %parallel_loop3A_138 = arith.constant 0 : index
        %parallel_loop3A_139 = tpu.vector_load %arg13[%parallel_loop3A_137, %parallel_loop3A_138] {strides = array<i32>} : memref<80x32xbf16, #tpu.memory_space<vmem>>, vector<32xbf16>,
        %parallel_loop3A_140 = vector.bitcast %parallel_loop3A_139 : vector<32xbf16> to vector<16xi32>
        %parallel_loop3A_141 = arith.constant 16 : i32
        %parallel_loop3A_142 = vector.broadcast %parallel_loop3A_141 : i32 to vector<16xi32>
        %parallel_loop3A_143 = arith.shli %parallel_loop3A_136, %parallel_loop3A_142 : vector<16xi32>
        %parallel_loop3A_144 = vector.bitcast %parallel_loop3A_143 : vector<16xi32> to vector<16xf32>
        %parallel_loop3A_145 = vector.broadcast %scan3A_41 : i32 to vector<16xi32>
        %parallel_loop3A_146 = arith.andi %parallel_loop3A_136, %parallel_loop3A_145 : vector<16xi32>
        %parallel_loop3A_147 = vector.bitcast %parallel_loop3A_146 : vector<16xi32> to vector<16xf32>
        %parallel_loop3A_148 = arith.constant 16 : i32
        %parallel_loop3A_149 = vector.broadcast %parallel_loop3A_148 : i32 to vector<16xi32>
        %parallel_loop3A_150 = arith.shli %parallel_loop3A_140, %parallel_loop3A_149 : vector<16xi32>
        %parallel_loop3A_151 = vector.bitcast %parallel_loop3A_150 : vector<16xi32> to vector<16xf32>
        %parallel_loop3A_152 = vector.broadcast %scan3A_41 : i32 to vector<16xi32>
        %parallel_loop3A_153 = arith.andi %parallel_loop3A_140, %parallel_loop3A_152 : vector<16xi32>
        %parallel_loop3A_154 = vector.bitcast %parallel_loop3A_153 : vector<16xi32> to vector<16xf32>
        %parallel_loop3A_155 = arith.addf %parallel_loop3A_144, %parallel_loop3A_151 : vector<16xf32>
        %parallel_loop3A_156 = arith.constant 0.000000e+00 : f32
        %parallel_loop3A_157 = vector.broadcast %parallel_loop3A_156 : f32 to vector<16xf32>
        %parallel_loop3A_158 = arith.maximumf %parallel_loop3A_155, %parallel_loop3A_157 : vector<16xf32>
        %parallel_loop3A_159 = arith.index_cast %parallel_loop3A_132 : i32 to index
        %parallel_loop3A_160 = arith.constant 0 : index
        %parallel_loop3A_161 = tpu.vector_load %arg14[%parallel_loop3A_159, %parallel_loop3A_160] {strides = array<i32>} : memref<80x32xf32, #tpu.memory_space<vmem>>, vector<16xf32>,
        tpu.vector_store %arg14[%parallel_loop3A_159, %parallel_loop3A_160], %parallel_loop3A_158 {strides = array<i32>} : memref<80x32xf32, #tpu.memory_space<vmem>>, vector<16xf32>,
        %parallel_loop3A_162 = arith.addf %parallel_loop3A_147, %parallel_loop3A_154 : vector<16xf32>
        %parallel_loop3A_163 = arith.constant 0.000000e+00 : f32
        %parallel_loop3A_164 = vector.broadcast %parallel_loop3A_163 : f32 to vector<16xf32>
        %parallel_loop3A_165 = arith.maximumf %parallel_loop3A_162, %parallel_loop3A_164 : vector<16xf32>
        %parallel_loop3A_166 = arith.index_cast %parallel_loop3A_132 : i32 to index
        %parallel_loop3A_167 = arith.constant 16 : index
        %parallel_loop3A_168 = tpu.vector_load %arg14[%parallel_loop3A_166, %parallel_loop3A_167] {strides = array<i32>} : memref<80x32xf32, #tpu.memory_space<vmem>>, vector<16xf32>,
        tpu.vector_store %arg14[%parallel_loop3A_166, %parallel_loop3A_167], %parallel_loop3A_165 {strides = array<i32>} : memref<80x32xf32, #tpu.memory_space<vmem>>, vector<16xf32>,
      } {sc.loop_unroll_factor = 4 : i64, sc.parallel_access}
      %parallel_loop3A_83 = arith.constant 0 : i32
      %parallel_loop3A_84 = arith.constant 80 : i32
      %parallel_loop3A_85 = arith.constant 16 : i32
      scf.for %parallel_loop3A_132 = %parallel_loop3A_83 to %parallel_loop3A_84 step %parallel_loop3A_85  : i32 {
        %parallel_loop3A_133 = arith.index_cast %parallel_loop3A_132 : i32 to index
        %parallel_loop3A_134 = tpu.vector_load %arg8[%parallel_loop3A_133] {strides = array<i32>} : memref<80xi32, #tpu.memory_space<vmem>>, vector<16xi32>,
        %parallel_loop3A_135 = arith.index_cast %parallel_loop3A_132 : i32 to index
        %parallel_loop3A_136 = tpu.vector_load %arg11[%parallel_loop3A_135] {strides = array<i32>} : memref<80xi32, #tpu.memory_space<vmem>>, vector<16xi32>,
        tpu.vector_store %arg11[%parallel_loop3A_135], %parallel_loop3A_134 {strides = array<i32>} : memref<80xi32, #tpu.memory_space<vmem>>, vector<16xi32>,
      } {sc.loop_unroll_factor = 5 : i64, sc.parallel_access}
      %dma_start3A_86 = arith.constant 0 : i32
      %dma_start3A_87 = arith.constant 0 : i32
      %dma_start3A_88 = tpu.memref_slice %arg24[%dma_start3A_86, %dma_start3A_87] : memref<51200x32xf32, #tpu.memory_space<vmem_shared>> -> memref<51200x32xf32, #tpu.memory_space<vmem_shared>>
      tpu.enqueue_indirect_dma source(%arg14 : memref<80x32xf32, #tpu.memory_space<vmem>>) target(%dma_start3A_88 : memref<51200x32xf32, #tpu.memory_space<vmem_shared>>) offsets(%arg11 : memref<80xi32, #tpu.memory_space<vmem>>) semaphore(%arg29 : memref<!tpu.dma_semaphore, #tpu.memory_space<semaphore_mem>>) {add = true}
      %add3A_89 = arith.constant 2 : i32
      %add3A_90 = arith.addi %add3A_65, %add3A_89 : i32
      %lt3A_91 = arith.constant 1250 : i32
      %lt3A_92 = arith.cmpi slt, %add3A_90, %lt3A_91 : i32
      %convert_element_type3A_93 = arith.extui %lt3A_92 : i1 to i32
      %cond3A_94 = arith.constant 0 : i32
      %cond3A_95 = arith.cmpi ne, %convert_element_type3A_93, %cond3A_94 : i32
      scf.if %cond3A_95 {
        %add3A_132 = arith.constant 2 : i32
        %add3A_133 = arith.addi %add3A_65, %add3A_132 : i32
        %mul3A_134 = arith.constant 80 : i32
        %mul3A_135 = arith.muli %add3A_133, %mul3A_134 : i32
        %add3A_136 = arith.addi %mul3A_6, %mul3A_135 : i32
        %dma_start3A_137 = tpu.memref_slice %arg4[%add3A_136] : memref<1600000xi32, #tpu.memory_space<hbm>> -> memref<80xi32, #tpu.memory_space<hbm>>
        %dma_start3A_138 = tpu.memref_slice %arg4[%add3A_136] : memref<1600000xi32, #tpu.memory_space<hbm>> -> memref<80xi32, #tpu.memory_space<hbm>>
        tpu.enqueue_dma source(%dma_start3A_138 : memref<80xi32, #tpu.memory_space<hbm>>) target(%arg7 : memref<80xi32, #tpu.memory_space<vmem>>) target_semaphore(%arg25 : memref<!tpu.dma_semaphore, #tpu.memory_space<semaphore_mem>>)
        %dma_start3A_139 = tpu.memref_slice %arg5[%add3A_136] : memref<1600000xi32, #tpu.memory_space<hbm>> -> memref<80xi32, #tpu.memory_space<hbm>>
        %dma_start3A_140 = tpu.memref_slice %arg5[%add3A_136] : memref<1600000xi32, #tpu.memory_space<hbm>> -> memref<80xi32, #tpu.memory_space<hbm>>
        tpu.enqueue_dma source(%dma_start3A_140 : memref<80xi32, #tpu.memory_space<hbm>>) target(%arg8 : memref<80xi32, #tpu.memory_space<vmem>>) target_semaphore(%arg25 : memref<!tpu.dma_semaphore, #tpu.memory_space<semaphore_mem>>)
      } else {
      }
      %add3A_96 = arith.constant 1 : i32
      %add3A_97 = arith.addi %add3A_63, %add3A_96 : i32
      %add3A_98 = arith.constant 1 : i32
      %add3A_99 = arith.addi %add3A_97, %add3A_98 : i32
      %lt3A_100 = arith.constant 1250 : i32
      %lt3A_101 = arith.cmpi slt, %add3A_99, %lt3A_100 : i32
      %convert_element_type3A_102 = arith.extui %lt3A_101 : i1 to i32
      %cond3A_103 = arith.constant 0 : i32
      %cond3A_104 = arith.cmpi ne, %convert_element_type3A_102, %cond3A_103 : i32
      scf.if %cond3A_104 {
        %dma_wait3A_132 = arith.constant 0 : i32
        %dma_wait3A_133 = tpu.memref_slice %arg4[%dma_wait3A_132] : memref<1600000xi32, #tpu.memory_space<hbm>> -> memref<80xi32, #tpu.memory_space<hbm>>
        %dma_wait3A_134 = arith.constant 0 : i32
        %dma_wait3A_135 = tpu.memref_slice %arg4[%dma_wait3A_134] : memref<1600000xi32, #tpu.memory_space<hbm>> -> memref<80xi32, #tpu.memory_space<hbm>>
        tpu.wait_dma2 semaphore(%arg25 : memref<!tpu.dma_semaphore, #tpu.memory_space<semaphore_mem>>) src(%dma_wait3A_135 : memref<80xi32, #tpu.memory_space<hbm>>) dst(%arg7 : memref<80xi32, #tpu.memory_space<vmem>>)
        %dma_wait3A_136 = arith.constant 0 : i32
        %dma_wait3A_137 = tpu.memref_slice %arg4[%dma_wait3A_136] : memref<1600000xi32, #tpu.memory_space<hbm>> -> memref<80xi32, #tpu.memory_space<hbm>>
        %dma_wait3A_138 = arith.constant 0 : i32
        %dma_wait3A_139 = tpu.memref_slice %arg4[%dma_wait3A_138] : memref<1600000xi32, #tpu.memory_space<hbm>> -> memref<80xi32, #tpu.memory_space<hbm>>
        tpu.wait_dma2 semaphore(%arg25 : memref<!tpu.dma_semaphore, #tpu.memory_space<semaphore_mem>>) src(%dma_wait3A_139 : memref<80xi32, #tpu.memory_space<hbm>>) dst(%arg8 : memref<80xi32, #tpu.memory_space<vmem>>)
        %parallel_loop3A_140 = arith.constant 0 : i32
        %parallel_loop3A_141 = arith.constant 80 : i32
        %parallel_loop3A_142 = arith.constant 16 : i32
        scf.for %parallel_loop3A_149 = %parallel_loop3A_140 to %parallel_loop3A_141 step %parallel_loop3A_142  : i32 {
          %parallel_loop3A_150 = arith.index_cast %parallel_loop3A_149 : i32 to index
          %parallel_loop3A_151 = tpu.vector_load %arg7[%parallel_loop3A_150] {strides = array<i32>} : memref<80xi32, #tpu.memory_space<vmem>>, vector<16xi32>,
          %parallel_loop3A_152 = vector.broadcast %mul3A_0 : i32 to vector<16xi32>
          %parallel_loop3A_153 = arith.addi %parallel_loop3A_151, %parallel_loop3A_152 : vector<16xi32>
          %parallel_loop3A_154 = arith.index_cast %parallel_loop3A_149 : i32 to index
          %parallel_loop3A_155 = tpu.vector_load %arg9[%parallel_loop3A_154] {strides = array<i32>} : memref<80xi32, #tpu.memory_space<vmem>>, vector<16xi32>,
          tpu.vector_store %arg9[%parallel_loop3A_154], %parallel_loop3A_153 {strides = array<i32>} : memref<80xi32, #tpu.memory_space<vmem>>, vector<16xi32>,
          %parallel_loop3A_156 = arith.index_cast %parallel_loop3A_149 : i32 to index
          %parallel_loop3A_157 = tpu.vector_load %arg8[%parallel_loop3A_156] {strides = array<i32>} : memref<80xi32, #tpu.memory_space<vmem>>, vector<16xi32>,
          %parallel_loop3A_158 = vector.broadcast %mul3A_0 : i32 to vector<16xi32>
          %parallel_loop3A_159 = arith.addi %parallel_loop3A_157, %parallel_loop3A_158 : vector<16xi32>
          %parallel_loop3A_160 = arith.index_cast %parallel_loop3A_149 : i32 to index
          %parallel_loop3A_161 = tpu.vector_load %arg10[%parallel_loop3A_160] {strides = array<i32>} : memref<80xi32, #tpu.memory_space<vmem>>, vector<16xi32>,
          tpu.vector_store %arg10[%parallel_loop3A_160], %parallel_loop3A_159 {strides = array<i32>} : memref<80xi32, #tpu.memory_space<vmem>>, vector<16xi32>,
        } {sc.loop_unroll_factor = 5 : i64, sc.parallel_access}
        %dma_start3A_143 = arith.constant 0 : i32
        %dma_start3A_144 = arith.constant 0 : i32
        %dma_start3A_145 = tpu.memref_slice %arg2[%dma_start3A_143, %dma_start3A_144] : memref<100000x32xbf16, #tpu.memory_space<hbm>> -> memref<100000x32xbf16, #tpu.memory_space<hbm>>
        tpu.enqueue_indirect_dma source(%dma_start3A_145 : memref<100000x32xbf16, #tpu.memory_space<hbm>>) target(%arg12 : memref<80x32xbf16, #tpu.memory_space<vmem>>) offsets(%arg9 : memref<80xi32, #tpu.memory_space<vmem>>) semaphore(%arg27 : memref<!tpu.dma_semaphore, #tpu.memory_space<semaphore_mem>>)
        %dma_start3A_146 = arith.constant 0 : i32
        %dma_start3A_147 = arith.constant 0 : i32
        %dma_start3A_148 = tpu.memref_slice %arg3[%dma_start3A_146, %dma_start3A_147] : memref<100000x32xbf16, #tpu.memory_space<hbm>> -> memref<100000x32xbf16, #tpu.memory_space<hbm>>
        tpu.enqueue_indirect_dma source(%dma_start3A_148 : memref<100000x32xbf16, #tpu.memory_space<hbm>>) target(%arg13 : memref<80x32xbf16, #tpu.memory_space<vmem>>) offsets(%arg10 : memref<80xi32, #tpu.memory_space<vmem>>) semaphore(%arg27 : memref<!tpu.dma_semaphore, #tpu.memory_space<semaphore_mem>>)
      } else {
      }
      %dma_wait3A_105 = arith.constant 0 : i32
      %dma_wait3A_106 = arith.constant 0 : i32
      %dma_wait3A_107 = tpu.memref_slice %arg2[%dma_wait3A_105, %dma_wait3A_106] : memref<100000x32xbf16, #tpu.memory_space<hbm>> -> memref<100000x32xbf16, #tpu.memory_space<hbm>>
      tpu.wait_indirect_dma semaphore(%arg28 : memref<!tpu.dma_semaphore, #tpu.memory_space<semaphore_mem>>) src(%dma_wait3A_107 : memref<100000x32xbf16, #tpu.memory_space<hbm>>) dst(%arg20 : memref<80x32xbf16, #tpu.memory_space<vmem>>)
      %dma_wait3A_108 = arith.constant 0 : i32
      %dma_wait3A_109 = arith.constant 0 : i32
      %dma_wait3A_110 = tpu.memref_slice %arg3[%dma_wait3A_108, %dma_wait3A_109] : memref<100000x32xbf16, #tpu.memory_space<hbm>> -> memref<100000x32xbf16, #tpu.memory_space<hbm>>
      tpu.wait_indirect_dma semaphore(%arg28 : memref<!tpu.dma_semaphore, #tpu.memory_space<semaphore_mem>>) src(%dma_wait3A_110 : memref<100000x32xbf16, #tpu.memory_space<hbm>>) dst(%arg21 : memref<80x32xbf16, #tpu.memory_space<vmem>>)
      %ge3A_111 = arith.constant 2 : i32
      %ge3A_112 = arith.cmpi sge, %add3A_97, %ge3A_111 : i32
      %convert_element_type3A_113 = arith.extui %ge3A_112 : i1 to i32
      %cond3A_114 = arith.constant 0 : i32
      %cond3A_115 = arith.cmpi ne, %convert_element_type3A_113, %cond3A_114 : i32
      scf.if %cond3A_115 {
        %dma_wait3A_132 = arith.constant 0 : i32
        %dma_wait3A_133 = arith.constant 0 : i32
        %dma_wait3A_134 = tpu.memref_slice %arg24[%dma_wait3A_132, %dma_wait3A_133] : memref<51200x32xf32, #tpu.memory_space<vmem_shared>> -> memref<51200x32xf32, #tpu.memory_space<vmem_shared>>
        tpu.wait_indirect_dma semaphore(%arg30 : memref<!tpu.dma_semaphore, #tpu.memory_space<semaphore_mem>>) src(%arg22 : memref<80x32xf32, #tpu.memory_space<vmem>>) dst(%dma_wait3A_134 : memref<51200x32xf32, #tpu.memory_space<vmem_shared>>)
      } else {
      }
      %parallel_loop3A_116 = arith.constant 0 : i32
      %parallel_loop3A_117 = arith.constant 80 : i32
      %parallel_loop3A_118 = arith.constant 1 : i32
      scf.for %parallel_loop3A_132 = %parallel_loop3A_116 to %parallel_loop3A_117 step %parallel_loop3A_118  : i32 {
        %parallel_loop3A_133 = arith.index_cast %parallel_loop3A_132 : i32 to index
        %parallel_loop3A_134 = arith.constant 0 : index
        %parallel_loop3A_135 = tpu.vector_load %arg20[%parallel_loop3A_133, %parallel_loop3A_134] {strides = array<i32>} : memref<80x32xbf16, #tpu.memory_space<vmem>>, vector<32xbf16>,
        %parallel_loop3A_136 = vector.bitcast %parallel_loop3A_135 : vector<32xbf16> to vector<16xi32>
        %parallel_loop3A_137 = arith.index_cast %parallel_loop3A_132 : i32 to index
        %parallel_loop3A_138 = arith.constant 0 : index
        %parallel_loop3A_139 = tpu.vector_load %arg21[%parallel_loop3A_137, %parallel_loop3A_138] {strides = array<i32>} : memref<80x32xbf16, #tpu.memory_space<vmem>>, vector<32xbf16>,
        %parallel_loop3A_140 = vector.bitcast %parallel_loop3A_139 : vector<32xbf16> to vector<16xi32>
        %parallel_loop3A_141 = arith.constant 16 : i32
        %parallel_loop3A_142 = vector.broadcast %parallel_loop3A_141 : i32 to vector<16xi32>
        %parallel_loop3A_143 = arith.shli %parallel_loop3A_136, %parallel_loop3A_142 : vector<16xi32>
        %parallel_loop3A_144 = vector.bitcast %parallel_loop3A_143 : vector<16xi32> to vector<16xf32>
        %parallel_loop3A_145 = vector.broadcast %scan3A_41 : i32 to vector<16xi32>
        %parallel_loop3A_146 = arith.andi %parallel_loop3A_136, %parallel_loop3A_145 : vector<16xi32>
        %parallel_loop3A_147 = vector.bitcast %parallel_loop3A_146 : vector<16xi32> to vector<16xf32>
        %parallel_loop3A_148 = arith.constant 16 : i32
        %parallel_loop3A_149 = vector.broadcast %parallel_loop3A_148 : i32 to vector<16xi32>
        %parallel_loop3A_150 = arith.shli %parallel_loop3A_140, %parallel_loop3A_149 : vector<16xi32>
        %parallel_loop3A_151 = vector.bitcast %parallel_loop3A_150 : vector<16xi32> to vector<16xf32>
        %parallel_loop3A_152 = vector.broadcast %scan3A_41 : i32 to vector<16xi32>
        %parallel_loop3A_153 = arith.andi %parallel_loop3A_140, %parallel_loop3A_152 : vector<16xi32>
        %parallel_loop3A_154 = vector.bitcast %parallel_loop3A_153 : vector<16xi32> to vector<16xf32>
        %parallel_loop3A_155 = arith.addf %parallel_loop3A_144, %parallel_loop3A_151 : vector<16xf32>
        %parallel_loop3A_156 = arith.constant 0.000000e+00 : f32
        %parallel_loop3A_157 = vector.broadcast %parallel_loop3A_156 : f32 to vector<16xf32>
        %parallel_loop3A_158 = arith.maximumf %parallel_loop3A_155, %parallel_loop3A_157 : vector<16xf32>
        %parallel_loop3A_159 = arith.index_cast %parallel_loop3A_132 : i32 to index
        %parallel_loop3A_160 = arith.constant 0 : index
        %parallel_loop3A_161 = tpu.vector_load %arg22[%parallel_loop3A_159, %parallel_loop3A_160] {strides = array<i32>} : memref<80x32xf32, #tpu.memory_space<vmem>>, vector<16xf32>,
        tpu.vector_store %arg22[%parallel_loop3A_159, %parallel_loop3A_160], %parallel_loop3A_158 {strides = array<i32>} : memref<80x32xf32, #tpu.memory_space<vmem>>, vector<16xf32>,
        %parallel_loop3A_162 = arith.addf %parallel_loop3A_147, %parallel_loop3A_154 : vector<16xf32>
        %parallel_loop3A_163 = arith.constant 0.000000e+00 : f32
        %parallel_loop3A_164 = vector.broadcast %parallel_loop3A_163 : f32 to vector<16xf32>
        %parallel_loop3A_165 = arith.maximumf %parallel_loop3A_162, %parallel_loop3A_164 : vector<16xf32>
        %parallel_loop3A_166 = arith.index_cast %parallel_loop3A_132 : i32 to index
        %parallel_loop3A_167 = arith.constant 16 : index
        %parallel_loop3A_168 = tpu.vector_load %arg22[%parallel_loop3A_166, %parallel_loop3A_167] {strides = array<i32>} : memref<80x32xf32, #tpu.memory_space<vmem>>, vector<16xf32>,
        tpu.vector_store %arg22[%parallel_loop3A_166, %parallel_loop3A_167], %parallel_loop3A_165 {strides = array<i32>} : memref<80x32xf32, #tpu.memory_space<vmem>>, vector<16xf32>,
      } {sc.loop_unroll_factor = 4 : i64, sc.parallel_access}
      %parallel_loop3A_119 = arith.constant 0 : i32
      %parallel_loop3A_120 = arith.constant 80 : i32
      %parallel_loop3A_121 = arith.constant 16 : i32
      scf.for %parallel_loop3A_132 = %parallel_loop3A_119 to %parallel_loop3A_120 step %parallel_loop3A_121  : i32 {
        %parallel_loop3A_133 = arith.index_cast %parallel_loop3A_132 : i32 to index
        %parallel_loop3A_134 = tpu.vector_load %arg16[%parallel_loop3A_133] {strides = array<i32>} : memref<80xi32, #tpu.memory_space<vmem>>, vector<16xi32>,
        %parallel_loop3A_135 = arith.index_cast %parallel_loop3A_132 : i32 to index
        %parallel_loop3A_136 = tpu.vector_load %arg19[%parallel_loop3A_135] {strides = array<i32>} : memref<80xi32, #tpu.memory_space<vmem>>, vector<16xi32>,
        tpu.vector_store %arg19[%parallel_loop3A_135], %parallel_loop3A_134 {strides = array<i32>} : memref<80xi32, #tpu.memory_space<vmem>>, vector<16xi32>,
      } {sc.loop_unroll_factor = 5 : i64, sc.parallel_access}
      %dma_start3A_122 = arith.constant 0 : i32
      %dma_start3A_123 = arith.constant 0 : i32
      %dma_start3A_124 = tpu.memref_slice %arg24[%dma_start3A_122, %dma_start3A_123] : memref<51200x32xf32, #tpu.memory_space<vmem_shared>> -> memref<51200x32xf32, #tpu.memory_space<vmem_shared>>
      tpu.enqueue_indirect_dma source(%arg22 : memref<80x32xf32, #tpu.memory_space<vmem>>) target(%dma_start3A_124 : memref<51200x32xf32, #tpu.memory_space<vmem_shared>>) offsets(%arg19 : memref<80xi32, #tpu.memory_space<vmem>>) semaphore(%arg30 : memref<!tpu.dma_semaphore, #tpu.memory_space<semaphore_mem>>) {add = true}
      %add3A_125 = arith.constant 2 : i32
      %add3A_126 = arith.addi %add3A_97, %add3A_125 : i32
      %lt3A_127 = arith.constant 1250 : i32
      %lt3A_128 = arith.cmpi slt, %add3A_126, %lt3A_127 : i32
      %convert_element_type3A_129 = arith.extui %lt3A_128 : i1 to i32
      %cond3A_130 = arith.constant 0 : i32
      %cond3A_131 = arith.cmpi ne, %convert_element_type3A_129, %cond3A_130 : i32
      scf.if %cond3A_131 {
        %add3A_132 = arith.constant 2 : i32
        %add3A_133 = arith.addi %add3A_97, %add3A_132 : i32
        %mul3A_134 = arith.constant 80 : i32
        %mul3A_135 = arith.muli %add3A_133, %mul3A_134 : i32
        %add3A_136 = arith.addi %mul3A_6, %mul3A_135 : i32
        %dma_start3A_137 = tpu.memref_slice %arg4[%add3A_136] : memref<1600000xi32, #tpu.memory_space<hbm>> -> memref<80xi32, #tpu.memory_space<hbm>>
        %dma_start3A_138 = tpu.memref_slice %arg4[%add3A_136] : memref<1600000xi32, #tpu.memory_space<hbm>> -> memref<80xi32, #tpu.memory_space<hbm>>
        tpu.enqueue_dma source(%dma_start3A_138 : memref<80xi32, #tpu.memory_space<hbm>>) target(%arg15 : memref<80xi32, #tpu.memory_space<vmem>>) target_semaphore(%arg26 : memref<!tpu.dma_semaphore, #tpu.memory_space<semaphore_mem>>)
        %dma_start3A_139 = tpu.memref_slice %arg5[%add3A_136] : memref<1600000xi32, #tpu.memory_space<hbm>> -> memref<80xi32, #tpu.memory_space<hbm>>
        %dma_start3A_140 = tpu.memref_slice %arg5[%add3A_136] : memref<1600000xi32, #tpu.memory_space<hbm>> -> memref<80xi32, #tpu.memory_space<hbm>>
        tpu.enqueue_dma source(%dma_start3A_140 : memref<80xi32, #tpu.memory_space<hbm>>) target(%arg16 : memref<80xi32, #tpu.memory_space<vmem>>) target_semaphore(%arg26 : memref<!tpu.dma_semaphore, #tpu.memory_space<semaphore_mem>>)
      } else {
      }
    }
    %scan3A_46 = arith.constant 625 : i32
    %dma_wait3A_47 = arith.constant 0 : i32
    %dma_wait3A_48 = arith.constant 0 : i32
    %dma_wait3A_49 = tpu.memref_slice %arg24[%dma_wait3A_47, %dma_wait3A_48] : memref<51200x32xf32, #tpu.memory_space<vmem_shared>> -> memref<51200x32xf32, #tpu.memory_space<vmem_shared>>
    tpu.wait_indirect_dma semaphore(%arg29 : memref<!tpu.dma_semaphore, #tpu.memory_space<semaphore_mem>>) src(%arg14 : memref<80x32xf32, #tpu.memory_space<vmem>>) dst(%dma_wait3A_49 : memref<51200x32xf32, #tpu.memory_space<vmem_shared>>)
    %dma_wait3A_50 = arith.constant 0 : i32
    %dma_wait3A_51 = arith.constant 0 : i32
    %dma_wait3A_52 = tpu.memref_slice %arg24[%dma_wait3A_50, %dma_wait3A_51] : memref<51200x32xf32, #tpu.memory_space<vmem_shared>> -> memref<51200x32xf32, #tpu.memory_space<vmem_shared>>
    tpu.wait_indirect_dma semaphore(%arg30 : memref<!tpu.dma_semaphore, #tpu.memory_space<semaphore_mem>>) src(%arg22 : memref<80x32xf32, #tpu.memory_space<vmem>>) dst(%dma_wait3A_52 : memref<51200x32xf32, #tpu.memory_space<vmem_shared>>)
    %barrier3A_53 = arith.constant 0 : index
    tpu.barrier barrier_id(%barrier3A_53)
    %scan3A_54 = arith.constant 0 : i32
    %scan3A_55 = arith.constant 10 : i32
    %scan3A_56 = arith.addi %scan3A_54, %scan3A_55 : i32
    %scan3A_57 = arith.constant 1 : i32
    scf.for %scan3A_59 = %scan3A_54 to %scan3A_56 step %scan3A_57  : i32 {
      %mul3A_60 = arith.constant 320 : i32
      %mul3A_61 = arith.muli %scan3A_59, %mul3A_60 : i32
      %add3A_62 = arith.constant 0 : i32
      %add3A_63 = arith.addi %add3A_62, %mul3A_61 : i32
      %add3A_64 = arith.addi %mul3A_4, %add3A_63 : i32
      "tpu.region"() ({
        %run_scoped3A = tpu.sem_alloc : memref<!tpu.dma_semaphore, #tpu.memory_space<semaphore_mem>>
        %dma_start3A_67 = arith.constant 0 : i32
        %dma_start3A_68 = tpu.memref_slice %arg24[%add3A_64, %dma_start3A_67] : memref<51200x32xf32, #tpu.memory_space<vmem_shared>> -> memref<320x32xf32, #tpu.memory_space<vmem_shared>>
        %dma_start3A_69 = arith.constant 0 : i32
        %dma_start3A_70 = tpu.memref_slice %arg24[%add3A_64, %dma_start3A_69] : memref<51200x32xf32, #tpu.memory_space<vmem_shared>> -> memref<320x32xf32, #tpu.memory_space<vmem_shared>>
        tpu.enqueue_dma source(%dma_start3A_70 : memref<320x32xf32, #tpu.memory_space<vmem_shared>>) target(%arg23 : memref<320x32xf32, #tpu.memory_space<vmem>>) target_semaphore(%run_scoped3A : memref<!tpu.dma_semaphore, #tpu.memory_space<semaphore_mem>>)
        %dma_wait3A_71 = arith.constant 0 : i32
        %dma_wait3A_72 = tpu.memref_slice %arg24[%add3A_64, %dma_wait3A_71] : memref<51200x32xf32, #tpu.memory_space<vmem_shared>> -> memref<320x32xf32, #tpu.memory_space<vmem_shared>>
        %dma_wait3A_73 = arith.constant 0 : i32
        %dma_wait3A_74 = tpu.memref_slice %arg24[%add3A_64, %dma_wait3A_73] : memref<51200x32xf32, #tpu.memory_space<vmem_shared>> -> memref<320x32xf32, #tpu.memory_space<vmem_shared>>
        tpu.wait_dma2 semaphore(%run_scoped3A : memref<!tpu.dma_semaphore, #tpu.memory_space<semaphore_mem>>) src(%dma_wait3A_74 : memref<320x32xf32, #tpu.memory_space<vmem_shared>>) dst(%arg23 : memref<320x32xf32, #tpu.memory_space<vmem>>)
        tpu.yield
      }) : () -> ()
      %add3A_65 = arith.addi %mul3A_2, %mul3A_4 : i32
      %add3A_66 = arith.addi %add3A_65, %add3A_63 : i32
      "tpu.region"() ({
        %run_scoped3A = tpu.sem_alloc : memref<!tpu.dma_semaphore, #tpu.memory_space<semaphore_mem>>
        %dma_start3A_67 = arith.constant 0 : i32
        %dma_start3A_68 = tpu.memref_slice %arg6[%add3A_66, %dma_start3A_67] : memref<102400x32xf32, #tpu.memory_space<hbm>> -> memref<320x32xf32, #tpu.memory_space<hbm>>
        %dma_start3A_69 = arith.constant 0 : i32
        %dma_start3A_70 = tpu.memref_slice %arg6[%add3A_66, %dma_start3A_69] : memref<102400x32xf32, #tpu.memory_space<hbm>> -> memref<320x32xf32, #tpu.memory_space<hbm>>
        tpu.enqueue_dma source(%arg23 : memref<320x32xf32, #tpu.memory_space<vmem>>) target(%dma_start3A_70 : memref<320x32xf32, #tpu.memory_space<hbm>>) target_semaphore(%run_scoped3A : memref<!tpu.dma_semaphore, #tpu.memory_space<semaphore_mem>>)
        %dma_wait3A_71 = arith.constant 0 : i32
        %dma_wait3A_72 = tpu.memref_slice %arg6[%add3A_66, %dma_wait3A_71] : memref<102400x32xf32, #tpu.memory_space<hbm>> -> memref<320x32xf32, #tpu.memory_space<hbm>>
        %dma_wait3A_73 = arith.constant 0 : i32
        %dma_wait3A_74 = tpu.memref_slice %arg6[%add3A_66, %dma_wait3A_73] : memref<102400x32xf32, #tpu.memory_space<hbm>> -> memref<320x32xf32, #tpu.memory_space<hbm>>
        tpu.wait_dma2 semaphore(%run_scoped3A : memref<!tpu.dma_semaphore, #tpu.memory_space<semaphore_mem>>) src(%arg23 : memref<320x32xf32, #tpu.memory_space<vmem>>) dst(%dma_wait3A_74 : memref<320x32xf32, #tpu.memory_space<hbm>>)
        tpu.yield
      }) : () -> ()
    }
    %scan3A_58 = arith.constant 10 : i32
    return
  }
}

module attributes {stable_mosaic.version = 14 : i64} {
  func.func @_enc_body(%arg0: i32, %arg1: memref<2000x4xf32, #tpu.memory_space<vmem>>, %arg2: memref<4x64xf32, #tpu.memory_space<vmem>>, %arg3: memref<1x64xf32, #tpu.memory_space<vmem>>, %arg4: memref<2x2000x32xbf16, #tpu.memory_space<vmem>>, %arg5: memref<2x2000x32xbf16, #tpu.memory_space<vmem>>) attributes {dimension_semantics = [#tpu.dimension_semantics<arbitrary>], iteration_bounds = array<i64: 25>, scalar_prefetch = 0 : i64, scratch_operands = 0 : i64, tpu.core_type = #tpu.core_type<tc>, window_params = [{transform_indices = @transform_0, window_bounds = array<i64: 2000, 4>}, {pipeline_mode = #tpu.pipeline_mode<synchronous>, transform_indices = @transform_1, window_bounds = array<i64: 4, 64>}, {pipeline_mode = #tpu.pipeline_mode<synchronous>, transform_indices = @transform_2, window_bounds = array<i64: 1, 64>}, {transform_indices = @transform_3, window_bounds = array<i64: 2, 2000, 32>}, {transform_indices = @transform_4, window_bounds = array<i64: 2, 2000, 32>}]} {
    %get3A = arith.constant 0 : index
    %get3A_0 = arith.constant 0 : index
    %get3A_1 = vector.load %arg1[%get3A, %get3A_0] : memref<2000x4xf32, #tpu.memory_space<vmem>>, vector<2000x2xf32>
    %get3A_2 = arith.constant 0 : index
    %get3A_3 = arith.constant 0 : index
    %get3A_4 = vector.load %arg2[%get3A_2, %get3A_3] : memref<4x64xf32, #tpu.memory_space<vmem>>, vector<4x64xf32>
    %convert_element_type3A = arith.truncf %get3A_4 : vector<4x64xf32> to vector<4x64xbf16>
    %convert_element_type3A_5 = arith.extf %convert_element_type3A : vector<4x64xbf16> to vector<4x64xf32>
    %get3A_6 = arith.constant 0 : index
    %get3A_7 = arith.constant 0 : index
    %get3A_8 = vector.load %arg3[%get3A_6, %get3A_7] : memref<1x64xf32, #tpu.memory_space<vmem>>, vector<1x64xf32>
    %slice3A = vector.extract_strided_slice %get3A_1 {offsets = [0, 0], sizes = [2000, 1], strides = [1, 1]} : vector<2000x2xf32> to vector<2000x1xf32>
    %convert_element_type3A_9 = arith.truncf %slice3A : vector<2000x1xf32> to vector<2000x1xbf16>
    %convert_element_type3A_10 = arith.extf %convert_element_type3A_9 : vector<2000x1xbf16> to vector<2000x1xf32>
    %slice3A_11 = vector.extract_strided_slice %get3A_1 {offsets = [0, 1], sizes = [2000, 1], strides = [1, 1]} : vector<2000x2xf32> to vector<2000x1xf32>
    %convert_element_type3A_12 = arith.truncf %slice3A_11 : vector<2000x1xf32> to vector<2000x1xbf16>
    %convert_element_type3A_13 = arith.extf %convert_element_type3A_12 : vector<2000x1xbf16> to vector<2000x1xf32>
    %slice3A_14 = vector.extract_strided_slice %convert_element_type3A_5 {offsets = [0, 0], sizes = [1, 64], strides = [1, 1]} : vector<4x64xf32> to vector<1x64xf32>
    %mul3A = vector.broadcast %convert_element_type3A_10 : vector<2000x1xf32> to vector<2000x64xf32>
    %mul3A_15 = vector.broadcast %slice3A_14 : vector<1x64xf32> to vector<2000x64xf32>
    %mul3A_16 = arith.mulf %mul3A, %mul3A_15 : vector<2000x64xf32>
    %slice3A_17 = vector.extract_strided_slice %convert_element_type3A_5 {offsets = [1, 0], sizes = [1, 64], strides = [1, 1]} : vector<4x64xf32> to vector<1x64xf32>
    %mul3A_18 = vector.broadcast %convert_element_type3A_13 : vector<2000x1xf32> to vector<2000x64xf32>
    %mul3A_19 = vector.broadcast %slice3A_17 : vector<1x64xf32> to vector<2000x64xf32>
    %mul3A_20 = arith.mulf %mul3A_18, %mul3A_19 : vector<2000x64xf32>
    %add3A = arith.addf %mul3A_16, %mul3A_20 : vector<2000x64xf32>
    %slice3A_21 = vector.extract_strided_slice %convert_element_type3A_5 {offsets = [2, 0], sizes = [1, 64], strides = [1, 1]} : vector<4x64xf32> to vector<1x64xf32>
    %mul3A_22 = vector.broadcast %convert_element_type3A_10 : vector<2000x1xf32> to vector<2000x64xf32>
    %mul3A_23 = vector.broadcast %slice3A_21 : vector<1x64xf32> to vector<2000x64xf32>
    %mul3A_24 = arith.mulf %mul3A_22, %mul3A_23 : vector<2000x64xf32>
    %slice3A_25 = vector.extract_strided_slice %convert_element_type3A_5 {offsets = [3, 0], sizes = [1, 64], strides = [1, 1]} : vector<4x64xf32> to vector<1x64xf32>
    %mul3A_26 = vector.broadcast %convert_element_type3A_13 : vector<2000x1xf32> to vector<2000x64xf32>
    %mul3A_27 = vector.broadcast %slice3A_25 : vector<1x64xf32> to vector<2000x64xf32>
    %mul3A_28 = arith.mulf %mul3A_26, %mul3A_27 : vector<2000x64xf32>
    %add3A_29 = arith.addf %mul3A_24, %mul3A_28 : vector<2000x64xf32>
    %add3A_30 = vector.broadcast %get3A_8 : vector<1x64xf32> to vector<2000x64xf32>
    %add3A_31 = arith.addf %add3A_29, %add3A_30 : vector<2000x64xf32>
    %convert_element_type3A_32 = arith.truncf %add3A : vector<2000x64xf32> to vector<2000x64xbf16>
    %convert_element_type3A_33 = arith.truncf %add3A_31 : vector<2000x64xf32> to vector<2000x64xbf16>
    %slice3A_34 = vector.extract_strided_slice %convert_element_type3A_32 {offsets = [0, 0], sizes = [2000, 32], strides = [1, 1]} : vector<2000x64xbf16> to vector<2000x32xbf16>
    %swap3A = arith.constant 0 : index
    %swap3A_35 = arith.constant 0 : index
    %swap3A_36 = arith.constant 0 : index
    %swap3A_37 = vector.load %arg4[%swap3A, %swap3A_35, %swap3A_36] : memref<2x2000x32xbf16, #tpu.memory_space<vmem>>, vector<1x2000x32xbf16>
    %swap3A_38 = vector.shape_cast %swap3A_37 : vector<1x2000x32xbf16> to vector<2000x32xbf16>
    %swap3A_39 = vector.shape_cast %slice3A_34 : vector<2000x32xbf16> to vector<1x2000x32xbf16>
    tpu.vector_store %arg4[%swap3A, %swap3A_35, %swap3A_36], %swap3A_39 {strides = array<i32>} : memref<2x2000x32xbf16, #tpu.memory_space<vmem>>, vector<1x2000x32xbf16>,
    %slice3A_40 = vector.extract_strided_slice %convert_element_type3A_32 {offsets = [0, 32], sizes = [2000, 32], strides = [1, 1]} : vector<2000x64xbf16> to vector<2000x32xbf16>
    %swap3A_41 = arith.constant 1 : index
    %swap3A_42 = arith.constant 0 : index
    %swap3A_43 = arith.constant 0 : index
    %swap3A_44 = vector.load %arg4[%swap3A_41, %swap3A_42, %swap3A_43] : memref<2x2000x32xbf16, #tpu.memory_space<vmem>>, vector<1x2000x32xbf16>
    %swap3A_45 = vector.shape_cast %swap3A_44 : vector<1x2000x32xbf16> to vector<2000x32xbf16>
    %swap3A_46 = vector.shape_cast %slice3A_40 : vector<2000x32xbf16> to vector<1x2000x32xbf16>
    tpu.vector_store %arg4[%swap3A_41, %swap3A_42, %swap3A_43], %swap3A_46 {strides = array<i32>} : memref<2x2000x32xbf16, #tpu.memory_space<vmem>>, vector<1x2000x32xbf16>,
    %slice3A_47 = vector.extract_strided_slice %convert_element_type3A_33 {offsets = [0, 0], sizes = [2000, 32], strides = [1, 1]} : vector<2000x64xbf16> to vector<2000x32xbf16>
    %swap3A_48 = arith.constant 0 : index
    %swap3A_49 = arith.constant 0 : index
    %swap3A_50 = arith.constant 0 : index
    %swap3A_51 = vector.load %arg5[%swap3A_48, %swap3A_49, %swap3A_50] : memref<2x2000x32xbf16, #tpu.memory_space<vmem>>, vector<1x2000x32xbf16>
    %swap3A_52 = vector.shape_cast %swap3A_51 : vector<1x2000x32xbf16> to vector<2000x32xbf16>
    %swap3A_53 = vector.shape_cast %slice3A_47 : vector<2000x32xbf16> to vector<1x2000x32xbf16>
    tpu.vector_store %arg5[%swap3A_48, %swap3A_49, %swap3A_50], %swap3A_53 {strides = array<i32>} : memref<2x2000x32xbf16, #tpu.memory_space<vmem>>, vector<1x2000x32xbf16>,
    %slice3A_54 = vector.extract_strided_slice %convert_element_type3A_33 {offsets = [0, 32], sizes = [2000, 32], strides = [1, 1]} : vector<2000x64xbf16> to vector<2000x32xbf16>
    %swap3A_55 = arith.constant 1 : index
    %swap3A_56 = arith.constant 0 : index
    %swap3A_57 = arith.constant 0 : index
    %swap3A_58 = vector.load %arg5[%swap3A_55, %swap3A_56, %swap3A_57] : memref<2x2000x32xbf16, #tpu.memory_space<vmem>>, vector<1x2000x32xbf16>
    %swap3A_59 = vector.shape_cast %swap3A_58 : vector<1x2000x32xbf16> to vector<2000x32xbf16>
    %swap3A_60 = vector.shape_cast %slice3A_54 : vector<2000x32xbf16> to vector<1x2000x32xbf16>
    tpu.vector_store %arg5[%swap3A_55, %swap3A_56, %swap3A_57], %swap3A_60 {strides = array<i32>} : memref<2x2000x32xbf16, #tpu.memory_space<vmem>>, vector<1x2000x32xbf16>,
    return
  }
  func.func @transform_0(%arg0: i32) -> (i32, i32) {
    %c0_i32 = arith.constant 0 : i32
    %c0_i32_0 = arith.constant 0 : i32
    return %arg0, %c0_i32 : i32, i32
  }
  func.func @transform_1(%arg0: i32) -> (i32, i32) {
    %c0_i32 = arith.constant 0 : i32
    %c0_i32_0 = arith.constant 0 : i32
    %c0_i32_1 = arith.constant 0 : i32
    return %c0_i32, %c0_i32_0 : i32, i32
  }
  func.func @transform_2(%arg0: i32) -> (i32, i32) {
    %c0_i32 = arith.constant 0 : i32
    %c0_i32_0 = arith.constant 0 : i32
    %c0_i32_1 = arith.constant 0 : i32
    return %c0_i32, %c0_i32_0 : i32, i32
  }
  func.func @transform_3(%arg0: i32) -> (i32, i32, i32) {
    %c0_i32 = arith.constant 0 : i32
    %c0_i32_0 = arith.constant 0 : i32
    %c0_i32_1 = arith.constant 0 : i32
    return %c0_i32, %arg0, %c0_i32_0 : i32, i32, i32
  }
  func.func @transform_4(%arg0: i32) -> (i32, i32, i32) {
    %c0_i32 = arith.constant 0 : i32
    %c0_i32_0 = arith.constant 0 : i32
    %c0_i32_1 = arith.constant 0 : i32
    return %c0_i32, %arg0, %c0_i32_0 : i32, i32, i32
  }
}

module attributes {stable_mosaic.version = 14 : i64} {
  func.func @_dec_body(%arg0: i32, %arg1: memref<2000x4xf32, #tpu.memory_space<vmem>>, %arg2: memref<2x2000x32xf32, #tpu.memory_space<vmem>>, %arg3: memref<2x64xf32, #tpu.memory_space<vmem>>, %arg4: memref<1x64xf32, #tpu.memory_space<vmem>>, %arg5: memref<2x64xf32, #tpu.memory_space<vmem>>, %arg6: memref<1x64xf32, #tpu.memory_space<vmem>>, %arg7: memref<192x64xf32, #tpu.memory_space<vmem>>, %arg8: memref<1x64xf32, #tpu.memory_space<vmem>>, %arg9: memref<64x4xf32, #tpu.memory_space<vmem>>, %arg10: memref<1x4xf32, #tpu.memory_space<vmem>>, %arg11: memref<2000x4xf32, #tpu.memory_space<vmem>>) attributes {dimension_semantics = [#tpu.dimension_semantics<arbitrary>], iteration_bounds = array<i64: 25>, scalar_prefetch = 0 : i64, scratch_operands = 0 : i64, tpu.core_type = #tpu.core_type<tc>, window_params = [{transform_indices = @transform_0, window_bounds = array<i64: 2000, 4>}, {transform_indices = @transform_1, window_bounds = array<i64: 2, 2000, 32>}, {pipeline_mode = #tpu.pipeline_mode<synchronous>, transform_indices = @transform_2, window_bounds = array<i64: 2, 64>}, {pipeline_mode = #tpu.pipeline_mode<synchronous>, transform_indices = @transform_3, window_bounds = array<i64: 1, 64>}, {pipeline_mode = #tpu.pipeline_mode<synchronous>, transform_indices = @transform_4, window_bounds = array<i64: 2, 64>}, {pipeline_mode = #tpu.pipeline_mode<synchronous>, transform_indices = @transform_5, window_bounds = array<i64: 1, 64>}, {pipeline_mode = #tpu.pipeline_mode<synchronous>, transform_indices = @transform_6, window_bounds = array<i64: 192, 64>}, {pipeline_mode = #tpu.pipeline_mode<synchronous>, transform_indices = @transform_7, window_bounds = array<i64: 1, 64>}, {pipeline_mode = #tpu.pipeline_mode<synchronous>, transform_indices = @transform_8, window_bounds = array<i64: 64, 4>}, {pipeline_mode = #tpu.pipeline_mode<synchronous>, transform_indices = @transform_9, window_bounds = array<i64: 1, 4>}, {transform_indices = @transform_10, window_bounds = array<i64: 2000, 4>}]} {
    %get3A = arith.constant 0 : index
    %get3A_0 = arith.constant 0 : index
    %get3A_1 = vector.load %arg1[%get3A, %get3A_0] : memref<2000x4xf32, #tpu.memory_space<vmem>>, vector<2000x4xf32>
    %slice3A = vector.extract_strided_slice %get3A_1 {offsets = [0, 0], sizes = [2000, 1], strides = [1, 1]} : vector<2000x4xf32> to vector<2000x1xf32>
    %convert_element_type3A = arith.truncf %slice3A : vector<2000x1xf32> to vector<2000x1xbf16>
    %convert_element_type3A_2 = arith.extf %convert_element_type3A : vector<2000x1xbf16> to vector<2000x1xf32>
    %slice3A_3 = vector.extract_strided_slice %get3A_1 {offsets = [0, 1], sizes = [2000, 1], strides = [1, 1]} : vector<2000x4xf32> to vector<2000x1xf32>
    %convert_element_type3A_4 = arith.truncf %slice3A_3 : vector<2000x1xf32> to vector<2000x1xbf16>
    %convert_element_type3A_5 = arith.extf %convert_element_type3A_4 : vector<2000x1xbf16> to vector<2000x1xf32>
    %slice3A_6 = vector.extract_strided_slice %get3A_1 {offsets = [0, 2], sizes = [2000, 1], strides = [1, 1]} : vector<2000x4xf32> to vector<2000x1xf32>
    %convert_element_type3A_7 = arith.truncf %slice3A_6 : vector<2000x1xf32> to vector<2000x1xbf16>
    %convert_element_type3A_8 = arith.extf %convert_element_type3A_7 : vector<2000x1xbf16> to vector<2000x1xf32>
    %slice3A_9 = vector.extract_strided_slice %get3A_1 {offsets = [0, 3], sizes = [2000, 1], strides = [1, 1]} : vector<2000x4xf32> to vector<2000x1xf32>
    %convert_element_type3A_10 = arith.truncf %slice3A_9 : vector<2000x1xf32> to vector<2000x1xbf16>
    %convert_element_type3A_11 = arith.extf %convert_element_type3A_10 : vector<2000x1xbf16> to vector<2000x1xf32>
    %get3A_12 = arith.constant 0 : index
    %get3A_13 = arith.constant 0 : index
    %get3A_14 = vector.load %arg3[%get3A_12, %get3A_13] : memref<2x64xf32, #tpu.memory_space<vmem>>, vector<2x64xf32>
    %convert_element_type3A_15 = arith.truncf %get3A_14 : vector<2x64xf32> to vector<2x64xbf16>
    %convert_element_type3A_16 = arith.extf %convert_element_type3A_15 : vector<2x64xbf16> to vector<2x64xf32>
    %get3A_17 = arith.constant 0 : index
    %get3A_18 = arith.constant 0 : index
    %get3A_19 = vector.load %arg5[%get3A_17, %get3A_18] : memref<2x64xf32, #tpu.memory_space<vmem>>, vector<2x64xf32>
    %convert_element_type3A_20 = arith.truncf %get3A_19 : vector<2x64xf32> to vector<2x64xbf16>
    %convert_element_type3A_21 = arith.extf %convert_element_type3A_20 : vector<2x64xbf16> to vector<2x64xf32>
    %slice3A_22 = vector.extract_strided_slice %convert_element_type3A_16 {offsets = [0, 0], sizes = [1, 64], strides = [1, 1]} : vector<2x64xf32> to vector<1x64xf32>
    %mul3A = vector.broadcast %convert_element_type3A_2 : vector<2000x1xf32> to vector<2000x64xf32>
    %mul3A_23 = vector.broadcast %slice3A_22 : vector<1x64xf32> to vector<2000x64xf32>
    %mul3A_24 = arith.mulf %mul3A, %mul3A_23 : vector<2000x64xf32>
    %slice3A_25 = vector.extract_strided_slice %convert_element_type3A_16 {offsets = [1, 0], sizes = [1, 64], strides = [1, 1]} : vector<2x64xf32> to vector<1x64xf32>
    %mul3A_26 = vector.broadcast %convert_element_type3A_5 : vector<2000x1xf32> to vector<2000x64xf32>
    %mul3A_27 = vector.broadcast %slice3A_25 : vector<1x64xf32> to vector<2000x64xf32>
    %mul3A_28 = arith.mulf %mul3A_26, %mul3A_27 : vector<2000x64xf32>
    %add3A = arith.addf %mul3A_24, %mul3A_28 : vector<2000x64xf32>
    %get3A_29 = arith.constant 0 : index
    %get3A_30 = arith.constant 0 : index
    %get3A_31 = vector.load %arg4[%get3A_29, %get3A_30] : memref<1x64xf32, #tpu.memory_space<vmem>>, vector<1x64xf32>
    %add3A_32 = vector.broadcast %get3A_31 : vector<1x64xf32> to vector<2000x64xf32>
    %add3A_33 = arith.addf %add3A, %add3A_32 : vector<2000x64xf32>
    %max3A = arith.constant 0.000000e+00 : f32
    %max3A_34 = vector.broadcast %max3A : f32 to vector<2000x64xf32>
    %max3A_35 = arith.maximumf %add3A_33, %max3A_34 : vector<2000x64xf32>
    %slice3A_36 = vector.extract_strided_slice %convert_element_type3A_21 {offsets = [0, 0], sizes = [1, 64], strides = [1, 1]} : vector<2x64xf32> to vector<1x64xf32>
    %mul3A_37 = vector.broadcast %convert_element_type3A_8 : vector<2000x1xf32> to vector<2000x64xf32>
    %mul3A_38 = vector.broadcast %slice3A_36 : vector<1x64xf32> to vector<2000x64xf32>
    %mul3A_39 = arith.mulf %mul3A_37, %mul3A_38 : vector<2000x64xf32>
    %slice3A_40 = vector.extract_strided_slice %convert_element_type3A_21 {offsets = [1, 0], sizes = [1, 64], strides = [1, 1]} : vector<2x64xf32> to vector<1x64xf32>
    %mul3A_41 = vector.broadcast %convert_element_type3A_11 : vector<2000x1xf32> to vector<2000x64xf32>
    %mul3A_42 = vector.broadcast %slice3A_40 : vector<1x64xf32> to vector<2000x64xf32>
    %mul3A_43 = arith.mulf %mul3A_41, %mul3A_42 : vector<2000x64xf32>
    %add3A_44 = arith.addf %mul3A_39, %mul3A_43 : vector<2000x64xf32>
    %get3A_45 = arith.constant 0 : index
    %get3A_46 = arith.constant 0 : index
    %get3A_47 = vector.load %arg6[%get3A_45, %get3A_46] : memref<1x64xf32, #tpu.memory_space<vmem>>, vector<1x64xf32>
    %add3A_48 = vector.broadcast %get3A_47 : vector<1x64xf32> to vector<2000x64xf32>
    %add3A_49 = arith.addf %add3A_44, %add3A_48 : vector<2000x64xf32>
    %max3A_50 = arith.constant 0.000000e+00 : f32
    %max3A_51 = vector.broadcast %max3A_50 : f32 to vector<2000x64xf32>
    %max3A_52 = arith.maximumf %add3A_49, %max3A_51 : vector<2000x64xf32>
    %get3A_53 = arith.constant 0 : index
    %get3A_54 = arith.constant 0 : index
    %get3A_55 = arith.constant 0 : index
    %get3A_56 = vector.load %arg2[%get3A_53, %get3A_54, %get3A_55] : memref<2x2000x32xf32, #tpu.memory_space<vmem>>, vector<1x2000x32xf32>
    %get3A_57 = vector.shape_cast %get3A_56 : vector<1x2000x32xf32> to vector<2000x32xf32>
    %get3A_58 = arith.constant 1 : index
    %get3A_59 = arith.constant 0 : index
    %get3A_60 = arith.constant 0 : index
    %get3A_61 = vector.load %arg2[%get3A_58, %get3A_59, %get3A_60] : memref<2x2000x32xf32, #tpu.memory_space<vmem>>, vector<1x2000x32xf32>
    %get3A_62 = vector.shape_cast %get3A_61 : vector<1x2000x32xf32> to vector<2000x32xf32>
    %concatenate3A = tpu.concatenate %get3A_57, %get3A_62 in 1 : vector<2000x32xf32>, vector<2000x32xf32> -> vector<2000x64xf32>
    %get3A_63 = arith.constant 0 : index
    %get3A_64 = arith.constant 0 : index
    %get3A_65 = vector.load %arg7[%get3A_63, %get3A_64] : memref<192x64xf32, #tpu.memory_space<vmem>>, vector<192x64xf32>
    %convert_element_type3A_66 = arith.truncf %get3A_65 : vector<192x64xf32> to vector<192x64xbf16>
    %convert_element_type3A_67 = arith.truncf %max3A_35 : vector<2000x64xf32> to vector<2000x64xbf16>
    %slice3A_68 = vector.extract_strided_slice %convert_element_type3A_66 {offsets = [0, 0], sizes = [64, 64], strides = [1, 1]} : vector<192x64xbf16> to vector<64x64xbf16>
    %dot_general3A = arith.constant dense<0.000000e+00> : vector<2000x64xf32>
    %dot_general3A_69 = tpu.matmul %convert_element_type3A_67, %slice3A_68, %dot_general3A {dimension_numbers = #tpu.dot_dimension_numbers<[1], [0], [0], [1], [0, 0, 1, 1], [], []>, transpose_lhs_hint = false} : vector<2000x64xbf16>, vector<64x64xbf16>, vector<2000x64xf32> -> vector<2000x64xf32>
    %convert_element_type3A_70 = arith.truncf %max3A_52 : vector<2000x64xf32> to vector<2000x64xbf16>
    %slice3A_71 = vector.extract_strided_slice %convert_element_type3A_66 {offsets = [64, 0], sizes = [64, 64], strides = [1, 1]} : vector<192x64xbf16> to vector<64x64xbf16>
    %dot_general3A_72 = arith.constant dense<0.000000e+00> : vector<2000x64xf32>
    %dot_general3A_73 = tpu.matmul %convert_element_type3A_70, %slice3A_71, %dot_general3A_72 {dimension_numbers = #tpu.dot_dimension_numbers<[1], [0], [0], [1], [0, 0, 1, 1], [], []>, transpose_lhs_hint = false} : vector<2000x64xbf16>, vector<64x64xbf16>, vector<2000x64xf32> -> vector<2000x64xf32>
    %add3A_74 = arith.addf %dot_general3A_69, %dot_general3A_73 : vector<2000x64xf32>
    %convert_element_type3A_75 = arith.truncf %concatenate3A : vector<2000x64xf32> to vector<2000x64xbf16>
    %slice3A_76 = vector.extract_strided_slice %convert_element_type3A_66 {offsets = [128, 0], sizes = [64, 64], strides = [1, 1]} : vector<192x64xbf16> to vector<64x64xbf16>
    %dot_general3A_77 = arith.constant dense<0.000000e+00> : vector<2000x64xf32>
    %dot_general3A_78 = tpu.matmul %convert_element_type3A_75, %slice3A_76, %dot_general3A_77 {dimension_numbers = #tpu.dot_dimension_numbers<[1], [0], [0], [1], [0, 0, 1, 1], [], []>, transpose_lhs_hint = false} : vector<2000x64xbf16>, vector<64x64xbf16>, vector<2000x64xf32> -> vector<2000x64xf32>
    %add3A_79 = arith.addf %add3A_74, %dot_general3A_78 : vector<2000x64xf32>
    %get3A_80 = arith.constant 0 : index
    %get3A_81 = arith.constant 0 : index
    %get3A_82 = vector.load %arg8[%get3A_80, %get3A_81] : memref<1x64xf32, #tpu.memory_space<vmem>>, vector<1x64xf32>
    %add3A_83 = vector.broadcast %get3A_82 : vector<1x64xf32> to vector<2000x64xf32>
    %add3A_84 = arith.addf %add3A_79, %add3A_83 : vector<2000x64xf32>
    %max3A_85 = arith.constant 0.000000e+00 : f32
    %max3A_86 = vector.broadcast %max3A_85 : f32 to vector<2000x64xf32>
    %max3A_87 = arith.maximumf %add3A_84, %max3A_86 : vector<2000x64xf32>
    %convert_element_type3A_88 = arith.truncf %max3A_87 : vector<2000x64xf32> to vector<2000x64xbf16>
    %get3A_89 = arith.constant 0 : index
    %get3A_90 = arith.constant 0 : index
    %get3A_91 = vector.load %arg9[%get3A_89, %get3A_90] : memref<64x4xf32, #tpu.memory_space<vmem>>, vector<64x4xf32>
    %convert_element_type3A_92 = arith.truncf %get3A_91 : vector<64x4xf32> to vector<64x4xbf16>
    %dot_general3A_93 = arith.constant dense<0.000000e+00> : vector<2000x4xf32>
    %dot_general3A_94 = tpu.matmul %convert_element_type3A_88, %convert_element_type3A_92, %dot_general3A_93 {dimension_numbers = #tpu.dot_dimension_numbers<[1], [0], [0], [1], [0, 0, 1, 1], [], []>, transpose_lhs_hint = false} : vector<2000x64xbf16>, vector<64x4xbf16>, vector<2000x4xf32> -> vector<2000x4xf32>
    %get3A_95 = arith.constant 0 : index
    %get3A_96 = arith.constant 0 : index
    %get3A_97 = vector.load %arg10[%get3A_95, %get3A_96] : memref<1x4xf32, #tpu.memory_space<vmem>>, vector<1x4xf32>
    %add3A_98 = vector.broadcast %get3A_97 : vector<1x4xf32> to vector<2000x4xf32>
    %add3A_99 = arith.addf %dot_general3A_94, %add3A_98 : vector<2000x4xf32>
    %swap3A = arith.constant 0 : index
    %swap3A_100 = arith.constant 0 : index
    %swap3A_101 = vector.load %arg11[%swap3A, %swap3A_100] : memref<2000x4xf32, #tpu.memory_space<vmem>>, vector<2000x4xf32>
    tpu.vector_store %arg11[%swap3A, %swap3A_100], %add3A_99 {strides = array<i32>} : memref<2000x4xf32, #tpu.memory_space<vmem>>, vector<2000x4xf32>,
    return
  }
  func.func @transform_0(%arg0: i32) -> (i32, i32) {
    %c0_i32 = arith.constant 0 : i32
    %c0_i32_0 = arith.constant 0 : i32
    return %arg0, %c0_i32 : i32, i32
  }
  func.func @transform_1(%arg0: i32) -> (i32, i32, i32) {
    %c0_i32 = arith.constant 0 : i32
    %c0_i32_0 = arith.constant 0 : i32
    %c0_i32_1 = arith.constant 0 : i32
    return %c0_i32, %arg0, %c0_i32_0 : i32, i32, i32
  }
  func.func @transform_2(%arg0: i32) -> (i32, i32) {
    %c0_i32 = arith.constant 0 : i32
    %c0_i32_0 = arith.constant 0 : i32
    %c0_i32_1 = arith.constant 0 : i32
    return %c0_i32, %c0_i32_0 : i32, i32
  }
  func.func @transform_3(%arg0: i32) -> (i32, i32) {
    %c0_i32 = arith.constant 0 : i32
    %c0_i32_0 = arith.constant 0 : i32
    %c0_i32_1 = arith.constant 0 : i32
    return %c0_i32, %c0_i32_0 : i32, i32
  }
  func.func @transform_4(%arg0: i32) -> (i32, i32) {
    %c0_i32 = arith.constant 0 : i32
    %c0_i32_0 = arith.constant 0 : i32
    %c0_i32_1 = arith.constant 0 : i32
    return %c0_i32, %c0_i32_0 : i32, i32
  }
  func.func @transform_5(%arg0: i32) -> (i32, i32) {
    %c0_i32 = arith.constant 0 : i32
    %c0_i32_0 = arith.constant 0 : i32
    %c0_i32_1 = arith.constant 0 : i32
    return %c0_i32, %c0_i32_0 : i32, i32
  }
  func.func @transform_6(%arg0: i32) -> (i32, i32) {
    %c0_i32 = arith.constant 0 : i32
    %c0_i32_0 = arith.constant 0 : i32
    %c0_i32_1 = arith.constant 0 : i32
    return %c0_i32, %c0_i32_0 : i32, i32
  }
  func.func @transform_7(%arg0: i32) -> (i32, i32) {
    %c0_i32 = arith.constant 0 : i32
    %c0_i32_0 = arith.constant 0 : i32
    %c0_i32_1 = arith.constant 0 : i32
    return %c0_i32, %c0_i32_0 : i32, i32
  }
  func.func @transform_8(%arg0: i32) -> (i32, i32) {
    %c0_i32 = arith.constant 0 : i32
    %c0_i32_0 = arith.constant 0 : i32
    %c0_i32_1 = arith.constant 0 : i32
    return %c0_i32, %c0_i32_0 : i32, i32
  }
  func.func @transform_9(%arg0: i32) -> (i32, i32) {
    %c0_i32 = arith.constant 0 : i32
    %c0_i32_0 = arith.constant 0 : i32
    %c0_i32_1 = arith.constant 0 : i32
    return %c0_i32, %c0_i32_0 : i32, i32
  }
  func.func @transform_10(%arg0: i32) -> (i32, i32) {
    %c0_i32 = arith.constant 0 : i32
    %c0_i32_0 = arith.constant 0 : i32
    return %arg0, %c0_i32 : i32, i32
  }
}

</mosaic_0001>

<sc_bundles>
// kernel: kernel.5.cloned.1.call-start
scs
__scs_entry_jumppad:
0x0: {  	(pc) =	sbr.rel $0x88, $3  }
0x1: {  	(tag) =	ssettag $0x0;
	lr =	simm.s32 $0x1  }
0x2: {  	[smem:$0x3F93] =	sst lr;
	_ =	strace $0xD0000000  }
0x3: {  	_ = 	snop  }
0x4: {  	_ = 	snop  }
0x5: {  	_ = 	snop  }
0x6: {  	_ = 	snop  }
0x7: {  	_ = 	snop  }
__scs_overlays_trampoline_lowered:
0x8: {  	[smem:$0x3FA2] =	sst s0  }
0x9: {  	[smem:$0x3FA3] =	sst s1  }
0xa: {  	[smem:$0x3FA4] =	sst s2  }
0xb: {  	[smem:$0x3FA5] =	sst s3  }
0xc: {  	[smem:$0x3FA6] =	sst s4  }
0xd: {  	[smem:$0x3FA7] =	sst s5  }
0xe: {  	[smem:$0x3FA8] =	sst s6  }
0xf: {  	[smem:$0x3FA9] =	sst s7  }
0x10: {  	[smem:$0x3FAA] =	sst s8  }
0x11: {  	[smem:$0x3FAB] =	sst s9;
	s0 =	simm.s32 @!p0 $0x0  }
0x12: {  	s1 =	sld [smem:$0x3F91];
	s0 =	simm.s32 @p0 $0x1  }
0x13: {  	[smem:$0x3FAC] =	sst s0;
	s0 =	simm.s32 @!p1 $0x0  }
0x14: {  	s2 =	sld [smem:$0x3F90];
	s0 =	simm.s32 @p1 $0x1  }
0x15: {  	[smem:$0x3FAD] =	sst s0;
	s0 =	simm.s32 @!p2 $0x0  }
0x16: {  	s3 =	sld [smem:$0x3FDB];
	s0 =	simm.s32 @p2 $0x1  }
0x17: {  	s4 =	simm.s32 $0x1BF5;
	[smem:$0x3FAF] =	sst s0  }
0x18: {  	s0 =	sld [smem:$0x3F92];
	_ =	swait.ge [sflag:s4], $0x0  }
0x19: {  	s7 =	sld [smem:$0x3F93]  }
0x1a: {  	s8 =	sadd.s32 $0xFFFFE003, lr  }
0x1b: {  	s9 =	sadd.s32 $0xFFFFFEF7, lr;
	s5 =	simm.s32 $0xFFFFFFFF;
	p2 =	slt.u32 s8, $0xFFFFF086  }
0x1c: {  	p1 =	slt.u32 s9, $0xF7A;
	s5 =	simm.s32 @!p2 $0x0  }
0x1d: {  	s5 =	simm.s32 @p1 $0x1;
	p0 =	seq.s32 s7, s2  }
0x1e: {  	s7 =	smul.u32 @!p0 $0xF7A, s2;
	p2 =	seq.s32 @!p0 s5, $0x0  }
0x1f: {  	s9 =	smul.u32 $0xF7A, s1;
	s8 =	simm.s32 @!p0 $0x1BF5;
	p2 =	por !p2, p0  }
0x20: {  	[sflag:s8] =	ssyncset.s32 @!p0 $0xFFFFF086;
	s6 =	sadd.s32 @!p0 s3, s7;
	s7 =	simm.s32 @!p0 $0x108  }
0x21: {  	s3 =	sadd.s32 s3, s9;
	s6 =	sadd.s32 @!p0 $0x88, s6;
	s7 =	simm.s32 @p2 $0x1082  }
0x22: {  	[simem:s7], [sflag:s8] =	dma.local @!p0 [hbm:s6], $0xF7A  }
0x23: {  	s9 =	sor.u32 $0xD0000000, s2;
	s6 =	simm.s32 $0x108;
	_ =	swait.ge @!p0 [sflag:s8], $0x0  }
0x24: {  	s3 =	sadd.s32 $0x88, s3;
	s6 =	simm.s32 @!p1 $0x1082;
	[sflag:s4] =	ssyncset.s32 $0xFFFFF086  }
0x25: {  	[simem:s6], [sflag:s4] =	dma.local [hbm:s3], $0xF7A  }
0x26: {  	[smem:$0x3F93] =	sst s1;
	(tag) =	ssettag s2;
	_ =	strace s9  }
0x27: {  	s1 =	sld [smem:$0x3FA3]  }
0x28: {  	s2 =	sld [smem:$0x3FA4]  }
0x29: {  	s4 =	sld [smem:$0x3FA6]  }
0x2a: {  	p0 =	seq.s32 s5, $0x0;
	s5 =	sld [smem:$0x3FA7]  }
0x2b: {  	s6 =	sld [smem:$0x3FA8]  }
0x2c: {  	s7 =	sld [smem:$0x3FA9]  }
0x2d: {  	s3 =	simm.s32 $0x108;
	s8 =	sld [smem:$0x3FAA]  }
0x2e: {  	s3 =	simm.s32 @!p0 $0x1082;
	s9 =	sld [smem:$0x3FAB]  }
0x2f: {  	lr =	sadd.s32 s0, s3;
	s0 =	sld [smem:$0x3FA2]  }
0x30: {  	s3 =	sld [smem:$0x3FA5]  }
0x31: {  	[smem:$0x3FAE] =	sst s10  }
0x32: {  	s10 =	sld [smem:$0x3FAC];
	_ =	sdelay $0x3  }
0x33: {  	p0 =	seq.s32 s10, $0x1;
	s10 =	sld [smem:$0x3FAE];
	_ =	sdelay $0x3  }
0x34: {  	[smem:$0x3FAE] =	sst s10  }
0x35: {  	s10 =	sld [smem:$0x3FAD];
	_ =	sdelay $0x3  }
0x36: {  	p1 =	seq.s32 s10, $0x1;
	s10 =	sld [smem:$0x3FAE];
	_ =	sdelay $0x3  }
0x37: {  	[smem:$0x3FAE] =	sst s10  }
0x38: {  	s10 =	sld [smem:$0x3FAF]  }
0x39: {  	_ = 	snop;
	(pc) =	sbr.ind lr, $3  }
0x3a: {  	_ = 	snop  }
0x3b: {  	_ = 	snop  }
0x3c: {  	p2 =	seq.s32 s10, $0x1;
	s10 =	sld [smem:$0x3FAE]  }
0x3d: {  	_ =	shalt  }
0x3e: {  	_ =	shalt  }
0x3f: {  	_ =	shalt  }
0x40: {  	_ =	shalt  }
0x41: {  	_ =	shalt  }
0x42: {  	_ =	shalt  }
0x43: {  	_ =	shalt  }
0x44: {  	_ =	shalt  }
0x45: {  	_ =	shalt  }
0x46: {  	_ =	shalt  }
0x47: {  	_ =	shalt  }
0x48: {  	_ =	shalt  }
0x49: {  	_ =	shalt  }
0x4a: {  	_ =	shalt  }
0x4b: {  	_ =	shalt  }
0x4c: {  	_ =	shalt  }
0x4d: {  	_ =	shalt  }
0x4e: {  	_ =	shalt  }
0x4f: {  	_ =	shalt  }
0x50: {  	_ =	shalt  }
0x51: {  	_ =	shalt  }
0x52: {  	_ =	shalt  }
0x53: {  	_ =	shalt  }
0x54: {  	_ =	shalt  }
0x55: {  	_ =	shalt  }
0x56: {  	_ =	shalt  }
0x57: {  	_ =	shalt  }
0x58: {  	_ =	shalt  }
0x59: {  	_ =	shalt  }
0x5a: {  	_ =	shalt  }
0x5b: {  	_ =	shalt  }
0x5c: {  	_ =	shalt  }
0x5d: {  	_ =	shalt  }
0x5e: {  	_ =	shalt  }
0x5f: {  	_ =	shalt  }
0x60: {  	_ =	shalt  }
0x61: {  	_ =	shalt  }
0x62: {  	_ =	shalt  }
0x63: {  	_ =	shalt  }
0x64: {  	_ =	shalt  }
0x65: {  	_ =	shalt  }
0x66: {  	_ =	shalt  }
0x67: {  	_ =	shalt  }
0x68: {  	_ =	shalt  }
0x69: {  	_ =	shalt  }
0x6a: {  	_ =	shalt  }
0x6b: {  	_ =	shalt  }
0x6c: {  	_ =	shalt  }
0x6d: {  	_ =	shalt  }
0x6e: {  	_ =	shalt  }
0x6f: {  	_ =	shalt  }
0x70: {  	_ =	shalt  }
0x71: {  	_ =	shalt  }
0x72: {  	_ =	shalt  }
0x73: {  	_ =	shalt  }
0x74: {  	_ =	shalt  }
0x75: {  	_ =	shalt  }
0x76: {  	_ =	shalt  }
0x77: {  	_ =	shalt  }
0x78: {  	_ =	shalt  }
0x79: {  	_ =	shalt  }
0x7a: {  	_ =	shalt  }
0x7b: {  	_ =	shalt  }
0x7c: {  	_ =	shalt  }
0x7d: {  	_ =	shalt  }
0x7e: {  	_ =	shalt  }
0x7f: {  	_ =	shalt  }
0x80: {  	_ =	shalt  }
0x81: {  	_ =	shalt  }
0x82: {  	_ =	shalt  }
0x83: {  	_ =	shalt  }
0x84: {  	_ =	shalt  }
0x85: {  	_ =	shalt  }
0x86: {  	_ =	shalt  }
0x87: {  	_ =	shalt  }
.Lfunc_end0:
.L_simem_size_0:
called_computation_lowered:
.L_overlay_start_0:
0x88: {  	s2 =	sld [smem:$0x3FD9]  }
0x89: {  	s3 =	sld [smem:$0x3FFE];
	_ =	sdelay $0x1  }
0x8a: {  	s1 =	srdreg.scid  }
0x8b: {  	s0 =	sand.u32 $0x1, s1  }
0x8c: {  	s16 =	sshll.u32 s0, $0xA;
	s2 =	sadd.s32 s3, s2  }
0x8d: {  	s2 =	sadd.s32 s2, s16  }
0x8e: {  	[smem:$0x3FBA] =	sst s2  }
0x8f: {  	_ = 	snop  }
0x90: {  	(tm) =	ssettm $0x1  }
0x91: {  	s17 =	sld [smem:$0x3FFB];
	_ =	sdelay $0x3  }
0x92: {  	_ =	strace s17  }
0x93: {  	s2 =	sld [smem:$0x3FFC];
	_ =	sdelay $0x3  }
0x94: {  	_ =	strace s2  }
0x95: {  	s2 =	sld [smem:$0x3FFD];
	_ =	sdelay $0x3  }
0x96: {  	_ =	strace s2  }
0x97: {  	_ =	strace $0x8FFFFFFF  }
0x98: {  	s18 =	sld [smem:$0x3FDB];
	_ =	sdelay $0x1  }
0x99: {  	s19 =	simm.s32 $_scs_section_size  }
0x9a: {  	s4 =	simm.s32 $_size__tile_overlayer_lowered;
	s5 =	simm.s32 $_tile_overlayer_lowered  }
0x9b: {  	s22 =	simm.s32 $0x1BFF;
	s21 =	sshll.u32 s5, $0x1;
	s2 =	sadd.s32 s19, s18  }
0x9c: {  	s6 =	simm.s32 $0x0;
	s20 =	sshll.u32 s4, $0x1;
	s4 =	sadd.s32 s21, s2  }
0x9d: {  	[timem:s6], [sflag:s22] =	dma.local [hbm:s4], s20  }
0x9e: {  	_ =	swait.ge [sflag:s22], s20  }
0x9f: {  	s3 =	ssub.s32 $0x0, s20;
	[sflag:s22] =	ssyncset.done $0x0  }
0xa0: {  	[sflag:s22] =	ssyncadd.s32 s3;
	_ =	sdelay $0x1  }
0xa1: {  	s23 =	simm.s32 $0x1B8B  }
0xa2: {  	_ =	swait.ge [sflag:s23], $0x1  }
0xa3: {  	[sflag:s23] =	ssyncset.done $0x0  }
0xa4: {  	s25 =	simm.s32 $0x1B8E;
	s24 =	sld [smem:$0x3FFE];
	[sflag:s23] =	ssyncadd.s32 $0xFFFFFFFF  }
0xa5: {  	s26 =	simm.s32 $execute0_lowered;
	[smem:$0x3FD2] =	sst s25  }
0xa6: {  	s4 =	sshll.u32 s26, $0x1;
	_ =	strace $0x80000046;
	[dreg:$0x1] =	wrdreg $0xFFFFFFFF  }
0xa7: {  	s28 =	simm.s32 $_size_execute0_lowered;
	s2 =	sadd.s32 s2, s4;
	[dreg:$0x0] =	wrdreg $0x0  }
0xa8: {  	s4 =	sshll.u32 s28, $0x1;
	[dreg:$0x2] =	wrdreg s2  }
0xa9: {  	[dreg:$0x3] =	wrdreg s4  }
0xaa: {  	[dreg:$0x4] =	wrdreg $0xC0  }
0xab: {  	_ =	task [dreg:s6], $0x5FFFF  }
0xac: {  	[dreg:$0x1] =	wrdreg $0xFFFFFFFF  }
0xad: {  	[dreg:$0x0] =	wrdreg $0x60  }
0xae: {  	[dreg:$0x2] =	wrdreg s24  }
0xaf: {  	[dreg:$0x3] =	wrdreg $0x53200  }
0xb0: {  	[dreg:$0x4] =	wrdreg $0x9  }
0xb1: {  	_ =	task.clear_ibuf [dreg:s6], $0x5FFFF;
	_ =	strace $0x90000046  }
0xb2: {  	s29 =	simm.s32 $0x9;
	_ =	strace $0x80000048  }
0xb3: {  	_ =	swait.ge [sflag:s29], $0x1  }
0xb4: {  	[sflag:s29] =	ssyncadd.s32 $0xFFFFFFFF  }
0xb5: {  	_ =	strace $0x90000048  }
0xb6: {  	_ =	sfence  }
0xb7: {  	s30 =	sld [smem:$0x0];
	_ =	sdelay $0x2  }
0xb8: {  	s31 =	sshll.u32 s1, $0xD;
	s1 =	sshrl.u32 s1, $0x2  }
0xb9: {  	s3 =	sand.u32 $0x4000, s31;
	s1 =	sadd.s32 s1, s30  }
0xba: {  	s0 =	sor.u32 s3, s0;
	s1 =	sshll.u32 s1, $0x11  }
0xbb: {  	s0 =	sor.u32 s1, s0  }
0xbc: {  	s0 =	sadd.s32 $0x8F2B, s0  }
0xbd: {  	[sflag:s0] =	ssyncadd.remote.s32 $0x1  }
0xbe: {  	_ =	sfence.sel $0xFFFF  }
0xbf: {  	[dreg:$0x0] =	wrdreg $0xFFFFFFFF;
	(pc) =	sbr.abs _section_cstart, $3  }
0xc0: {  	[dreg:$0x1] =	wrdreg $0xFFFFFFFF  }
0xc1: {  	_ =	task.clear_ibuf [dreg:s6], $0x2FFFF;
	_ =	strace $0x9FFFFFFF  }
0xc2: {  	(tm) =	ssettm $0x7FFFFFFF  }
0xc3: {  	_ =	shalt  }
tec
execute0_lowered:
.L_overlay_start_1:
0x0: {  	(tag) =	ssettag $0x1  }
0x1: {  	s0 =	rddreg [dreg:$0x0];
	s12 =	stileid.u32  }
0x2: {  	s2 =	srdreg.scid;
	s3 =	simm.s32 $0x0;
	s8 =	smul.u32 $0xC80, s12  }
0x3: {  	s2 =	sand.u32 $0x1, s2;
	[smem:$0x7FF] =	sst s3;
	s11 =	smul.u32 $0x186A0, s12  }
0x4: {  	s4 =	sadd.s32 $0xF8E00, s0;
	s5 =	sadd.s32 $0xC8000, s0;
	s7 =	smul.u32 $0xC800, s2  }
0x5: {  	s1 =	rddreg [dreg:$0x1];
	s6 =	sadd.s32 $0x15AA00, s0;
	_ =	strace $0x80000047  }
0x6: {  	s9 =	ssub.s32 $0x2, s2;
	s20 =	sshrl.u32 s11, $0x3;
	s7 =	sadd.s32 s8, s7  }
0x7: {  	s19 =	sshrl.u32 s9, $0x1;
	s10 =	sadd.s32 s6, s20;
	s8 =	sshll.u32 s7, $0x2  }
0x8: {  	s7 =	sadd.s32 $0x129C00, s0;
	[dreg:$0x3] =	wrdreg s10;
	s0 =	sadd.s32 s8, s0  }
0x9: {  	s8 =	ssub.s32 s9, s19;
	s21 =	sadd.s32 s7, s20;
	s9 =	sadd.s32 $0xA, s20  }
0xa: {  	[dreg:$0x4] =	wrdreg s21;
	s13 =	sadd.s32 s6, s9  }
0xb: {  	s22 =	sadd.s32 $0x18B800, s0;
	[dreg:$0x5] =	wrdreg s13  }
0xc: {  	s23 =	sadd.s32 $0x18BD00, s0;
	[dreg:$0x6] =	wrdreg s22  }
0xd: {  	s9 =	sadd.s32 s7, s9;
	[dreg:$0x7] =	wrdreg s23  }
0xe: {  	s24 =	sadd.s32 $0x18C200, s0;
	[dreg:$0x8] =	wrdreg s9  }
0xf: {  	s25 =	sadd.s32 $0x18C700, s0;
	[dreg:$0x9] =	wrdreg s24  }
0x10: {  	s14 =	sadd.s32 $0x18D100, s0;
	[dreg:$0xa] =	wrdreg s25  }
0x11: {  	s28 =	simm.s32 $0x4;
	s15 =	sadd.s32 $0x18D600, s0;
	[dreg:$0xc] =	wrdreg s14  }
0x12: {  	s29 =	simm.s32 $0x16D0;
	s16 =	sadd.s32 $0x18DB00, s0;
	[dreg:$0xe] =	wrdreg s15  }
0x13: {  	s30 =	simm.s32 $0x2120;
	s8 =	smax.u32 s8, $0x1;
	[dreg:$0xf] =	wrdreg s16  }
0x14: {  	s12 =	smul.u32 $0x64000, s12;
	s17 =	sadd.s32 $0x18E000, s0;
	[dreg:$0x10] =	wrdreg s8  }
0x15: {  	s31 =	simm.s32 $0x0;
	s13 =	sadd.s32 $0x18CC00, s0;
	[dreg:$0x11] =	wrdreg s17  }
0x16: {  	s26 =	sshrl.u32 s12, $0x2;
	s0 =	sadd.s32 $0x18E500, s0;
	[dreg:$0xb] =	wrdreg s13  }
0x17: {  	s2 =	smul.u32 $0xC350, s2;
	s9 =	sadd.s32 s26, s1;
	[dreg:$0x12] =	wrdreg s0  }
0x18: {  	s12 =	simm.s32 $0x2B20;
	s18 =	sadd.s32 $0x5000, s9;
	[dreg:$0xd] =	wrdreg s9  }
0x19: {  	s10 =	sadd.s32 $0xA0, s11;
	s19 =	sadd.s32 $0x7800, s9;
	[dreg:$0x14] =	wrdreg s18  }
0x1a: {  	s11 =	sadd.s32 $0xF0, s11;
	s21 =	sadd.s32 $0xA000, s9;
	[dreg:$0x15] =	wrdreg s19  }
0x1b: {  	s14 =	simm.s32 $0x50;
	s22 =	sadd.s32 $0xC800, s9;
	[dreg:$0x16] =	wrdreg s21  }
0x1c: {  	s15 =	simm.s32 $0x1;
	s23 =	sadd.s32 $0xF000, s9;
	[dreg:$0x17] =	wrdreg s22  }
0x1d: {  	s16 =	simm.s32 $0x1590;
	s24 =	sadd.s32 $0x11800, s9;
	[dreg:$0x18] =	wrdreg s23  }
0x1e: {  	s17 =	simm.s32 $0x15E0;
	s25 =	sadd.s32 $0x14000, s9;
	[dreg:$0x19] =	wrdreg s24  }
.Ltmp0:
0x1f: {  	s26 =	sadd.s32 $0x16800, s9;
	[dreg:$0x1a] =	wrdreg s25;
	(pc) =	sbr.rel .LBB2_1-.Ltmp0, $4  }
0x20: {  	s20 =	sadd.s32 $0x2800, s9;
	s13 =	simm.s32 $0x7;
	[dreg:$0x1b] =	wrdreg s26  }
0x21: {  	s18 =	simm.s32 $0x2;
	s19 =	simm.s32 $0x1630;
	s21 =	simm.s32 $0x1720  }
0x22: {  	s22 =	simm.s32 $0x1680;
	s23 =	simm.s32 $0x1C20;
	s24 =	simm.s32 $0x3  }
0x23: {  	v1 =	vimm.f32 $0.0e+00;
	v0 =	vmov s2;
	s25 =	simm.s32 $0x140;
	s26 =	simm.s32 $0xB90;
	[dreg:$0x13] =	wrdreg s20  }
.LBB2_10:
0x24: {  	s0 =	simm.s32 $0x5  }
0x25: {  	_ =	swait.ge [sflag:s0], $0xA00  }
0x26: {  	[sflag:s0] =	ssyncset.done $0x0  }
0x27: {  	s9 =	simm.s32 $0x6;
	[sflag:s0] =	ssyncadd.s32 $0xFFFFF600  }
0x28: {  	_ =	swait.ge [sflag:s9], $0xA00  }
0x29: {  	[sflag:s9] =	ssyncset.done $0x0  }
0x2a: {  	[sflag:s9] =	ssyncadd.s32 $0xFFFFF600  }
0x2b: {  	[bflag:$0x0] =	sbarrier.arrive $0xFFFF  }
0x2c: {  	s9 =	rddreg [dreg:$0xd]  }
0x2d: {  	[tilespmem:s12], [sflag:$0x7] =	stream.linear.gather [spmem:s9], $0x2800, $0x38;
	[tilespmem:$0x1E320] =	vst v63  }
0x2e: {  	_ =	swait.ge [sflag:s13], $0x2800  }
0x2f: {  	[sflag:s13] =	ssyncset.done $0x0  }
0x30: {  	s20 =	rddreg [dreg:$0x6];
	[sflag:s13] =	ssyncadd.s32 $0xFFFFD800  }
0x31: {  	[hbm4b:s20+s3] =	stream.linear.scatter [tilespmem:s12], [sflag:$0x7], $0x2800, $0x38;
	[tilespmem:$0x1E320] =	vst v63  }
0x32: {  	_ =	swait.ge [sflag:s13], $0x2800  }
0x33: {  	[sflag:s13] =	ssyncset.done $0x0  }
0x34: {  	s20 =	rddreg [dreg:$0x13];
	[sflag:s13] =	ssyncadd.s32 $0xFFFFD800  }
0x35: {  	[tilespmem:s12], [sflag:$0x7] =	stream.linear.gather [spmem:s20], $0x2800, $0x38;
	[tilespmem:$0x1E320] =	vst v63  }
0x36: {  	_ =	swait.ge [sflag:s13], $0x2800  }
0x37: {  	[sflag:s13] =	ssyncset.done $0x0  }
0x38: {  	s2 =	rddreg [dreg:$0x7];
	[sflag:s13] =	ssyncadd.s32 $0xFFFFD800  }
0x39: {  	[hbm4b:s2+s3] =	stream.linear.scatter [tilespmem:s12], [sflag:$0x7], $0x2800, $0x38;
	[tilespmem:$0x1E320] =	vst v63  }
0x3a: {  	_ =	swait.ge [sflag:s13], $0x2800  }
0x3b: {  	[sflag:s13] =	ssyncset.done $0x0  }
0x3c: {  	s8 =	rddreg [dreg:$0x14];
	[sflag:s13] =	ssyncadd.s32 $0xFFFFD800  }
0x3d: {  	[tilespmem:s12], [sflag:$0x7] =	stream.linear.gather [spmem:s8], $0x2800, $0x38;
	[tilespmem:$0x1E320] =	vst v63  }
0x3e: {  	_ =	swait.ge [sflag:s13], $0x2800  }
0x3f: {  	[sflag:s13] =	ssyncset.done $0x0  }
0x40: {  	s2 =	rddreg [dreg:$0x9];
	[sflag:s13] =	ssyncadd.s32 $0xFFFFD800  }
0x41: {  	[hbm4b:s2+s3] =	stream.linear.scatter [tilespmem:s12], [sflag:$0x7], $0x2800, $0x38;
	[tilespmem:$0x1E320] =	vst v63  }
0x42: {  	_ =	swait.ge [sflag:s13], $0x2800  }
0x43: {  	[sflag:s13] =	ssyncset.done $0x0  }
0x44: {  	s8 =	rddreg [dreg:$0x15];
	[sflag:s13] =	ssyncadd.s32 $0xFFFFD800  }
0x45: {  	[tilespmem:s12], [sflag:$0x7] =	stream.linear.gather [spmem:s8], $0x2800, $0x38;
	[tilespmem:$0x1E320] =	vst v63  }
0x46: {  	_ =	swait.ge [sflag:s13], $0x2800  }
0x47: {  	[sflag:s13] =	ssyncset.done $0x0  }
0x48: {  	s2 =	rddreg [dreg:$0xa];
	[sflag:s13] =	ssyncadd.s32 $0xFFFFD800  }
0x49: {  	[hbm4b:s2+s3] =	stream.linear.scatter [tilespmem:s12], [sflag:$0x7], $0x2800, $0x38;
	[tilespmem:$0x1E320] =	vst v63  }
0x4a: {  	_ =	swait.ge [sflag:s13], $0x2800  }
0x4b: {  	[sflag:s13] =	ssyncset.done $0x0  }
0x4c: {  	s8 =	rddreg [dreg:$0x16];
	[sflag:s13] =	ssyncadd.s32 $0xFFFFD800  }
0x4d: {  	[tilespmem:s12], [sflag:$0x7] =	stream.linear.gather [spmem:s8], $0x2800, $0x38;
	[tilespmem:$0x1E320] =	vst v63  }
0x4e: {  	_ =	swait.ge [sflag:s13], $0x2800  }
0x4f: {  	[sflag:s13] =	ssyncset.done $0x0  }
0x50: {  	s2 =	rddreg [dreg:$0xb];
	[sflag:s13] =	ssyncadd.s32 $0xFFFFD800  }
0x51: {  	[hbm4b:s2+s3] =	stream.linear.scatter [tilespmem:s12], [sflag:$0x7], $0x2800, $0x38;
	[tilespmem:$0x1E320] =	vst v63  }
0x52: {  	_ =	swait.ge [sflag:s13], $0x2800  }
0x53: {  	[sflag:s13] =	ssyncset.done $0x0  }
0x54: {  	s8 =	rddreg [dreg:$0x17];
	[sflag:s13] =	ssyncadd.s32 $0xFFFFD800  }
0x55: {  	[tilespmem:s12], [sflag:$0x7] =	stream.linear.gather [spmem:s8], $0x2800, $0x38;
	[tilespmem:$0x1E320] =	vst v63  }
0x56: {  	_ =	swait.ge [sflag:s13], $0x2800  }
0x57: {  	[sflag:s13] =	ssyncset.done $0x0  }
0x58: {  	s2 =	rddreg [dreg:$0xc];
	[sflag:s13] =	ssyncadd.s32 $0xFFFFD800  }
0x59: {  	[hbm4b:s2+s3] =	stream.linear.scatter [tilespmem:s12], [sflag:$0x7], $0x2800, $0x38;
	[tilespmem:$0x1E320] =	vst v63  }
0x5a: {  	_ =	swait.ge [sflag:s13], $0x2800  }
0x5b: {  	[sflag:s13] =	ssyncset.done $0x0  }
0x5c: {  	s8 =	rddreg [dreg:$0x18];
	[sflag:s13] =	ssyncadd.s32 $0xFFFFD800  }
0x5d: {  	[tilespmem:s12], [sflag:$0x7] =	stream.linear.gather [spmem:s8], $0x2800, $0x38;
	[tilespmem:$0x1E320] =	vst v63  }
0x5e: {  	_ =	swait.ge [sflag:s13], $0x2800  }
0x5f: {  	[sflag:s13] =	ssyncset.done $0x0  }
0x60: {  	s2 =	rddreg [dreg:$0xe];
	[sflag:s13] =	ssyncadd.s32 $0xFFFFD800  }
0x61: {  	[hbm4b:s2+s3] =	stream.linear.scatter [tilespmem:s12], [sflag:$0x7], $0x2800, $0x38;
	[tilespmem:$0x1E320] =	vst v63  }
0x62: {  	_ =	swait.ge [sflag:s13], $0x2800  }
0x63: {  	[sflag:s13] =	ssyncset.done $0x0  }
0x64: {  	s8 =	rddreg [dreg:$0x19];
	[sflag:s13] =	ssyncadd.s32 $0xFFFFD800  }
0x65: {  	[tilespmem:s12], [sflag:$0x7] =	stream.linear.gather [spmem:s8], $0x2800, $0x38;
	[tilespmem:$0x1E320] =	vst v63  }
0x66: {  	_ =	swait.ge [sflag:s13], $0x2800  }
0x67: {  	[sflag:s13] =	ssyncset.done $0x0  }
0x68: {  	s2 =	rddreg [dreg:$0xf];
	[sflag:s13] =	ssyncadd.s32 $0xFFFFD800  }
0x69: {  	[hbm4b:s2+s3] =	stream.linear.scatter [tilespmem:s12], [sflag:$0x7], $0x2800, $0x38;
	[tilespmem:$0x1E320] =	vst v63  }
0x6a: {  	_ =	swait.ge [sflag:s13], $0x2800  }
0x6b: {  	[sflag:s13] =	ssyncset.done $0x0  }
0x6c: {  	s8 =	rddreg [dreg:$0x1a];
	[sflag:s13] =	ssyncadd.s32 $0xFFFFD800  }
0x6d: {  	[tilespmem:s12], [sflag:$0x7] =	stream.linear.gather [spmem:s8], $0x2800, $0x38;
	[tilespmem:$0x1E320] =	vst v63  }
0x6e: {  	_ =	swait.ge [sflag:s13], $0x2800  }
0x6f: {  	[sflag:s13] =	ssyncset.done $0x0  }
0x70: {  	s2 =	rddreg [dreg:$0x11];
	[sflag:s13] =	ssyncadd.s32 $0xFFFFD800  }
0x71: {  	[hbm4b:s2+s3] =	stream.linear.scatter [tilespmem:s12], [sflag:$0x7], $0x2800, $0x38;
	[tilespmem:$0x1E320] =	vst v63  }
0x72: {  	_ =	swait.ge [sflag:s13], $0x2800  }
0x73: {  	[sflag:s13] =	ssyncset.done $0x0  }
0x74: {  	s8 =	rddreg [dreg:$0x1b];
	[sflag:s13] =	ssyncadd.s32 $0xFFFFD800  }
0x75: {  	[tilespmem:s12], [sflag:$0x7] =	stream.linear.gather [spmem:s8], $0x2800, $0x38;
	[tilespmem:$0x1E320] =	vst v63  }
0x76: {  	_ =	swait.ge [sflag:s13], $0x2800  }
0x77: {  	[sflag:s13] =	ssyncset.done $0x0  }
0x78: {  	s2 =	rddreg [dreg:$0x12];
	[sflag:s13] =	ssyncadd.s32 $0xFFFFD800  }
0x79: {  	[hbm4b:s2+s3] =	stream.linear.scatter [tilespmem:s12], [sflag:$0x7], $0x2800, $0x38;
	[tilespmem:$0x1E320] =	vst v63  }
0x7a: {  	_ =	swait.ge [sflag:s13], $0x2800  }
0x7b: {  	s31 =	sadd.s32 $0x1, s31;
	s8 =	rddreg [dreg:$0x10]  }
0x7c: {  	p0 =	sne.s32 s31, s8  }
.Ltmp1:
0x7d: {  	_ = 	snop;
	(pc) =	sbr.rel @!p0 .LBB2_11-.Ltmp1, $3  }
0x7e: {  	_ =	sdelay $0x1  }
0x7f: {  	[sflag:s13] =	ssyncset.done $0x0  }
0x80: {  	[sflag:s13] =	ssyncadd.s32 $0xFFFFD800  }
.LBB2_1:
0x81: {  	s0 =	simm.s32 $0x80;
	s2 =	simm.s32 $0x0  }
.LBB2_2:
0x82: {  	p0 =	sne.s32 s0, $0x9F80;
	[tilespmem:s2+$0x2B20] =	vst v1;
	s8 =	smov.u32 s0;
	s0 =	sadd.s32 $0x80, s0  }
.Ltmp2:
0x83: {  	[tilespmem:s2+$0x2B30] =	vst v1;
	(pc) =	sbr.rel @p0 .LBB2_2-.Ltmp2, $2  }
0x84: {  	_ =	sdelay $0x2  }
0x85: {  	s2 =	sshra.s32 s8, $0x2  }
0x86: {  	[tilespmem:s2+$0x2B20] =	vst v1  }
0x87: {  	[tilespmem:s2+$0x2B30] =	vst v1  }
0x88: {  	[spmem:s9] =	stream.linear.scatter [tilespmem:s12], [sflag:$0x7], $0x2800, $0x38;
	[tilespmem:$0x1E320] =	vst v63  }
0x89: {  	_ =	swait.ge [sflag:s13], $0x2800  }
0x8a: {  	[sflag:s13] =	ssyncset.done $0x0  }
0x8b: {  	[sflag:s13] =	ssyncadd.s32 $0xFFFFD800  }
0x8c: {  	[spmem:s20] =	stream.linear.scatter [tilespmem:s12], [sflag:$0x7], $0x2800, $0x38;
	[tilespmem:$0x1E320] =	vst v63  }
0x8d: {  	_ =	swait.ge [sflag:s13], $0x2800  }
0x8e: {  	[sflag:s13] =	ssyncset.done $0x0  }
0x8f: {  	s0 =	rddreg [dreg:$0x14];
	[sflag:s13] =	ssyncadd.s32 $0xFFFFD800  }
0x90: {  	[spmem:s0] =	stream.linear.scatter [tilespmem:s12], [sflag:$0x7], $0x2800, $0x38;
	[tilespmem:$0x1E320] =	vst v63  }
0x91: {  	_ =	swait.ge [sflag:s13], $0x2800  }
0x92: {  	[sflag:s13] =	ssyncset.done $0x0  }
0x93: {  	s9 =	rddreg [dreg:$0x15];
	[sflag:s13] =	ssyncadd.s32 $0xFFFFD800  }
0x94: {  	[spmem:s9] =	stream.linear.scatter [tilespmem:s12], [sflag:$0x7], $0x2800, $0x38;
	[tilespmem:$0x1E320] =	vst v63  }
0x95: {  	_ =	swait.ge [sflag:s13], $0x2800  }
0x96: {  	[sflag:s13] =	ssyncset.done $0x0  }
0x97: {  	s20 =	rddreg [dreg:$0x16];
	[sflag:s13] =	ssyncadd.s32 $0xFFFFD800  }
0x98: {  	[spmem:s20] =	stream.linear.scatter [tilespmem:s12], [sflag:$0x7], $0x2800, $0x38;
	[tilespmem:$0x1E320] =	vst v63  }
0x99: {  	_ =	swait.ge [sflag:s13], $0x2800  }
0x9a: {  	[sflag:s13] =	ssyncset.done $0x0  }
0x9b: {  	s2 =	rddreg [dreg:$0x17];
	[sflag:s13] =	ssyncadd.s32 $0xFFFFD800  }
0x9c: {  	[spmem:s2] =	stream.linear.scatter [tilespmem:s12], [sflag:$0x7], $0x2800, $0x38;
	[tilespmem:$0x1E320] =	vst v63  }
0x9d: {  	_ =	swait.ge [sflag:s13], $0x2800  }
0x9e: {  	[sflag:s13] =	ssyncset.done $0x0  }
0x9f: {  	s8 =	rddreg [dreg:$0x18];
	[sflag:s13] =	ssyncadd.s32 $0xFFFFD800  }
0xa0: {  	[spmem:s8] =	stream.linear.scatter [tilespmem:s12], [sflag:$0x7], $0x2800, $0x38;
	[tilespmem:$0x1E320] =	vst v63  }
0xa1: {  	_ =	swait.ge [sflag:s13], $0x2800  }
0xa2: {  	[sflag:s13] =	ssyncset.done $0x0  }
0xa3: {  	s9 =	rddreg [dreg:$0x19];
	[sflag:s13] =	ssyncadd.s32 $0xFFFFD800  }
0xa4: {  	[spmem:s9] =	stream.linear.scatter [tilespmem:s12], [sflag:$0x7], $0x2800, $0x38;
	[tilespmem:$0x1E320] =	vst v63  }
0xa5: {  	_ =	swait.ge [sflag:s13], $0x2800  }
0xa6: {  	[sflag:s13] =	ssyncset.done $0x0  }
0xa7: {  	s20 =	rddreg [dreg:$0x1a];
	[sflag:s13] =	ssyncadd.s32 $0xFFFFD800  }
0xa8: {  	[spmem:s20] =	stream.linear.scatter [tilespmem:s12], [sflag:$0x7], $0x2800, $0x38;
	[tilespmem:$0x1E320] =	vst v63  }
0xa9: {  	_ =	swait.ge [sflag:s13], $0x2800  }
0xaa: {  	[sflag:s13] =	ssyncset.done $0x0  }
0xab: {  	s2 =	rddreg [dreg:$0x1b];
	[sflag:s13] =	ssyncadd.s32 $0xFFFFD800  }
0xac: {  	[spmem:s2] =	stream.linear.scatter [tilespmem:s12], [sflag:$0x7], $0x2800, $0x38;
	[tilespmem:$0x1E320] =	vst v63  }
0xad: {  	_ =	swait.ge [sflag:s13], $0x2800  }
0xae: {  	[sflag:s13] =	ssyncset.done $0x0  }
0xaf: {  	[sflag:s13] =	ssyncadd.s32 $0xFFFFD800  }
0xb0: {  	[bflag:$0x0] =	sbarrier.arrive $0xFFFF  }
0xb1: {  	s0 =	simm.s32 $0x0;
	s8 =	rddreg [dreg:$0x3]  }
0xb2: {  	[tilespmem:s0], [sflag:$0x1] =	stream.linear.gather [hbm4b:s8+s0], $0x50, $0x38;
	[tilespmem:$0x1E320] =	vst v63  }
0xb3: {  	s9 =	rddreg [dreg:$0x4]  }
0xb4: {  	[tilespmem:s14], [sflag:$0x1] =	stream.linear.gather [hbm4b:s9+s0], $0x50, $0x38;
	[tilespmem:$0x1E320] =	vst v63  }
0xb5: {  	_ =	swait.ge [sflag:s15], $0x50  }
0xb6: {  	[sflag:s15] =	ssyncset.done $0x0  }
0xb7: {  	[sflag:s15] =	ssyncadd.s32 $0xFFFFFFB0  }
0xb8: {  	_ =	swait.ge [sflag:s15], $0x50  }
0xb9: {  	[sflag:s15] =	ssyncset.done $0x0  }
0xba: {  	[sflag:s15] =	ssyncadd.s32 $0xFFFFFFB0  }
0xbb: {  	v2 =	vld [tilespmem:$0x0]  }
0xbc: {  	v3 =	vld [tilespmem:$0x50]  }
0xbd: {  	v4 =	vld [tilespmem:$0x10]  }
0xbe: {  	v5 =	vld [tilespmem:$0x60]  }
0xbf: {  	v6 =	vld [tilespmem:$0x20]  }
0xc0: {  	v7 =	vld [tilespmem:$0x70];
	v2 =	vadd.s32 v0, v2  }
0xc1: {  	[tilespmem:$0xA0] =	vst v2;
	v2 =	vadd.s32 v0, v3;
	v3 =	vld [tilespmem:$0x30]  }
0xc2: {  	v61 =	vld [tilespmem:$0x80];
	[tilespmem:$0xF0] =	vst v2;
	v2 =	vadd.s32 v0, v4  }
0xc3: {  	v62 =	vld [tilespmem:$0x40];
	[tilespmem:$0xB0] =	vst v2;
	v2 =	vadd.s32 v0, v5  }
0xc4: {  	v63 =	vld [tilespmem:$0x90];
	[tilespmem:$0x100] =	vst v2;
	v2 =	vadd.s32 v0, v6  }
0xc5: {  	[tilespmem:$0xC0] =	vst v2;
	v2 =	vadd.s32 v0, v7  }
0xc6: {  	[tilespmem:$0x110] =	vst v2;
	v2 =	vadd.s32 v0, v3  }
0xc7: {  	[tilespmem:$0xD0] =	vst v2;
	v2 =	vadd.s32 v0, v61  }
0xc8: {  	[tilespmem:$0x120] =	vst v2;
	v2 =	vadd.s32 v0, v62  }
0xc9: {  	[tilespmem:$0xE0] =	vst v2;
	v2 =	vadd.s32 v0, v63  }
0xca: {  	s20 =	simm.s32 $0xA0;
	s8 =	simm.s32 $0x190;
	[tilespmem:$0x130] =	vst v2  }
0xcb: {  	[tilespmem:s8], [sflag:$0x3] =	stream.indirect.gather [hbm4b:s4+s14], $0x10, s20, s14, $0xb8;
	[tilespmem:$0x1E320] =	vst v63  }
0xcc: {  	s9 =	simm.s32 $0xF0;
	s20 =	simm.s32 $0x690  }
0xcd: {  	[tilespmem:s20], [sflag:$0x3] =	stream.indirect.gather [hbm4b:s5+s14], $0x10, s9, s14, $0xb8;
	[tilespmem:$0x1E320] =	vst v63  }
0xce: {  	s9 =	rddreg [dreg:$0x5]  }
0xcf: {  	[tilespmem:s16], [sflag:$0x2] =	stream.linear.gather [hbm4b:s9+s0], $0x50, $0x38;
	[tilespmem:$0x1E320] =	vst v63  }
0xd0: {  	s20 =	rddreg [dreg:$0x8]  }
0xd1: {  	[tilespmem:s17], [sflag:$0x2] =	stream.linear.gather [hbm4b:s20+s0], $0x50, $0x38;
	[tilespmem:$0x1E320] =	vst v63  }
.LBB2_4:
0xd2: {  	_ =	swait.ge [sflag:s18], $0x50  }
0xd3: {  	[sflag:s18] =	ssyncset.done $0x0  }
0xd4: {  	[sflag:s18] =	ssyncadd.s32 $0xFFFFFFB0  }
0xd5: {  	_ =	swait.ge [sflag:s18], $0x50  }
0xd6: {  	[sflag:s18] =	ssyncset.done $0x0  }
0xd7: {  	[sflag:s18] =	ssyncadd.s32 $0xFFFFFFB0  }
0xd8: {  	v2 =	vld [tilespmem:$0x1590]  }
0xd9: {  	v3 =	vld [tilespmem:$0x15E0]  }
0xda: {  	v4 =	vld [tilespmem:$0x15A0]  }
0xdb: {  	v5 =	vld [tilespmem:$0x15F0]  }
0xdc: {  	v6 =	vld [tilespmem:$0x15B0]  }
0xdd: {  	v7 =	vld [tilespmem:$0x1600];
	v2 =	vadd.s32 v0, v2  }
0xde: {  	[tilespmem:$0x1630] =	vst v2;
	v2 =	vadd.s32 v0, v3;
	v3 =	vld [tilespmem:$0x15C0]  }
0xdf: {  	[tilespmem:$0x1680] =	vst v2;
	v2 =	vadd.s32 v0, v4;
	v4 =	vld [tilespmem:$0x1610]  }
0xe0: {  	[tilespmem:$0x1640] =	vst v2;
	v2 =	vadd.s32 v0, v5;
	v5 =	vld [tilespmem:$0x15D0]  }
0xe1: {  	[tilespmem:$0x1690] =	vst v2;
	v2 =	vadd.s32 v0, v6;
	v6 =	vld [tilespmem:$0x1620]  }
0xe2: {  	[tilespmem:$0x1650] =	vst v2;
	v2 =	vadd.s32 v0, v7  }
0xe3: {  	[tilespmem:$0x16A0] =	vst v2;
	v2 =	vadd.s32 v0, v3  }
0xe4: {  	[tilespmem:$0x1660] =	vst v2;
	v2 =	vadd.s32 v0, v4  }
0xe5: {  	[tilespmem:$0x16B0] =	vst v2;
	v2 =	vadd.s32 v0, v5  }
0xe6: {  	[tilespmem:$0x1670] =	vst v2;
	v2 =	vadd.s32 v0, v6  }
0xe7: {  	[tilespmem:$0x16C0] =	vst v2  }
0xe8: {  	[tilespmem:s21], [sflag:$0x4] =	stream.indirect.gather [hbm4b:s4+s14], $0x10, s19, s14, $0xb8;
	[tilespmem:$0x1E320] =	vst v63  }
0xe9: {  	_ = 	snop  }
0xea: {  	[tilespmem:s23], [sflag:$0x4] =	stream.indirect.gather [hbm4b:s5+s14], $0x10, s22, s14, $0xb8;
	[tilespmem:$0x1E320] =	vst v63  }
0xeb: {  	_ =	swait.ge [sflag:s24], $0x500  }
0xec: {  	[sflag:s24] =	ssyncset.done $0x0  }
0xed: {  	[sflag:s24] =	ssyncadd.s32 $0xFFFFFB00  }
0xee: {  	_ =	swait.ge [sflag:s24], $0x500  }
0xef: {  	p0 =	seq.s32 s0, $0x0;
	[sflag:s24] =	ssyncset.done $0x0  }
0xf0: {  	s2 =	simm.s32 @!p0 $0x5;
	[sflag:s24] =	ssyncadd.s32 $0xFFFFFB00  }
0xf1: {  	_ =	swait.ge @!p0 [sflag:s2], $0xA00  }
0xf2: {  	[sflag:s2] =	ssyncset.done @!p0 $0x0  }
0xf3: {  	s20 =	simm.s32 $0x1B0;
	[sflag:s2] =	ssyncadd.s32 @!p0 $0xFFFFF600  }
0xf4: {  	s8 =	simm.s32 $0x6B0;
	v2 =	vld [tilespmem:s20+$0x10]  }
0xf5: {  	v3 =	vld [tilespmem:s8+$0x10]  }
0xf6: {  	v5 =	vld [tilespmem:s8+$0xFFFFFFE0]  }
0xf7: {  	v6 =	vld [tilespmem:s20+$0xFFFFFFF0]  }
0xf8: {  	v7 =	vld [tilespmem:s8+$0xFFFFFFF0];
	_ =	sdelay $0x2  }
0xf9: {  	v9 =	vshll.u32 v2, $0x10;
	v2 =	vand.u32 $0xFFFF0000, v2  }
0xfa: {  	v12 =	vld [tilespmem:s20+$0x0];
	v10 =	vshll.u32 v3, $0x10;
	v8 =	vand.u32 $0xFFFF0000, v3;
	v4 =	vshll.u32 v5, $0x10  }
0xfb: {  	v3 =	vand.u32 $0xFFFF0000, v5;
	v14 =	vshll.u32 v6, $0x10;
	v5 =	vld [tilespmem:s8+$0x0];
	v11 =	vand.u32 $0xFFFF0000, v7  }
0xfc: {  	v13 =	vadd.f32 v8, v2;
	v8 =	vand.u32 $0xFFFF0000, v6;
	v6 =	vshll.u32 v7, $0x10;
	v7 =	vld [tilespmem:s20+$0xFFFFFFE0];
	_ =	sdelay $0x1  }
0xfd: {  	s2 =	simm.s32 $0xBD0;
	v2 =	vadd.f32 v10, v9;
	v13 =	vmax.f32 v13, $0.0e+00  }
0xfe: {  	s9 =	simm.s32 $0x0;
	v10 =	vshll.u32 v12, $0x10;
	s20 =	simm.s32 $0x1F0;
	v9 =	vadd.f32 v6, v14;
	v6 =	vand.u32 $0xFFFF0000, v12;
	[tilespmem:s2+$0x30] =	vst v13  }
.LBB2_5:
0xff: {  	v12 =	vld [tilespmem:s20+$0x10];
	v8 =	vadd.f32 v11, v8;
	v11 =	vshll.u32 v5, $0x10;
	v5 =	vand.u32 $0xFFFF0000, v5;
	s8 =	sadd.s32 $0x40, s8  }
0x100: {  	s9 =	sadd.s32 $0x4, s9;
	v13 =	vld [tilespmem:s8+$0x10];
	v14 =	vshll.u32 v7, $0x10;
	v7 =	vand.u32 $0xFFFF0000, v7;
	v10 =	vadd.f32 v11, v10  }
0x101: {  	p1 =	slt.u32 s9, $0x4C;
	v11 =	vld [tilespmem:s8+$0xFFFFFFE0];
	v4 =	vadd.f32 v4, v14;
	v3 =	vadd.f32 v3, v7;
	v7 =	vmax.f32 v9, $0.0e+00  }
0x102: {  	v5 =	vadd.f32 v5, v6;
	v9 =	vld [tilespmem:s20+$0xFFFFFFF0];
	[tilespmem:s2+$0xFFFFFFE0] =	vst v7;
	v7 =	vmax.f32 v8, $0.0e+00;
	v8 =	vmax.f32 v10, $0.0e+00  }
0x103: {  	v10 =	vmax.f32 v2, $0.0e+00;
	v6 =	vld [tilespmem:s8+$0xFFFFFFF0];
	v4 =	vmax.f32 v4, $0.0e+00;
	v3 =	vmax.f32 v3, $0.0e+00;
	[tilespmem:s2+$0xFFFFFFF0] =	vst v7  }
0x104: {  	v15 =	vmax.f32 v5, $0.0e+00;
	v14 =	vld [tilespmem:s20+$0x0];
	v2 =	vshll.u32 v12, $0x10;
	[tilespmem:s2+$0xFFFFFFC0] =	vst v4  }
.Ltmp3:
0x105: {  	v12 =	vand.u32 $0xFFFF0000, v12;
	v5 =	vld [tilespmem:s8+$0x0];
	v16 =	vshll.u32 v13, $0x10;
	v13 =	vand.u32 $0xFFFF0000, v13;
	[tilespmem:s2+$0xFFFFFFD0] =	vst v3;
	(pc) =	sbr.rel @p1 .LBB2_5-.Ltmp3, $4  }
0x106: {  	v7 =	vld [tilespmem:s20+$0xFFFFFFE0];
	v4 =	vshll.u32 v11, $0x10;
	v3 =	vand.u32 $0xFFFF0000, v11;
	v12 =	vadd.f32 v13, v12;
	[tilespmem:s2+$0x0] =	vst v8  }
0x107: {  	v2 =	vadd.f32 v16, v2;
	v13 =	vshll.u32 v9, $0x10;
	v8 =	vand.u32 $0xFFFF0000, v9;
	[tilespmem:s2+$0x10] =	vst v15  }
0x108: {  	v9 =	vshll.u32 v6, $0x10;
	v11 =	vand.u32 $0xFFFF0000, v6;
	v12 =	vmax.f32 v12, $0.0e+00;
	[tilespmem:s2+$0x20] =	vst v10;
	s2 =	sadd.s32 $0x80, s2  }
0x109: {  	s20 =	sadd.s32 $0x40, s20;
	v9 =	vadd.f32 v9, v13;
	v10 =	vshll.u32 v14, $0x10;
	v6 =	vand.u32 $0xFFFF0000, v14;
	[tilespmem:s2+$0x30] =	vst v12  }
0x10a: {  	_ = 	snop  }
0x10b: {  	v8 =	vadd.f32 v11, v8;
	v2 =	vmax.f32 v2, $0.0e+00;
	v11 =	vshll.u32 v7, $0x10  }
0x10c: {  	v7 =	vand.u32 $0xFFFF0000, v7;
	v9 =	vmax.f32 v9, $0.0e+00;
	[tilespmem:s2+$0x20] =	vst v2;
	v4 =	vadd.f32 v4, v11  }
0x10d: {  	v11 =	vshll.u32 v5, $0x10;
	v3 =	vadd.f32 v3, v7;
	[tilespmem:s2+$0xFFFFFFE0] =	vst v9;
	v7 =	vmax.f32 v8, $0.0e+00  }
0x10e: {  	v5 =	vand.u32 $0xFFFF0000, v5;
	v8 =	vadd.f32 v11, v10;
	[tilespmem:s2+$0xFFFFFFF0] =	vst v7;
	v4 =	vmax.f32 v4, $0.0e+00  }
0x10f: {  	v5 =	vadd.f32 v5, v6;
	v3 =	vmax.f32 v3, $0.0e+00;
	[tilespmem:s2+$0xFFFFFFC0] =	vst v4  }
0x110: {  	v4 =	vmax.f32 v8, $0.0e+00;
	[tilespmem:s2+$0xFFFFFFD0] =	vst v3  }
0x111: {  	v3 =	vmax.f32 v5, $0.0e+00;
	[tilespmem:s2+$0x0] =	vst v4  }
0x112: {  	[tilespmem:s2+$0x10] =	vst v3  }
0x113: {  	v2 =	vld [tilespmem:$0x50]  }
0x114: {  	v3 =	vld [tilespmem:$0x60]  }
0x115: {  	v4 =	vld [tilespmem:$0x70]  }
0x116: {  	v5 =	vld [tilespmem:$0x80]  }
0x117: {  	v6 =	vld [tilespmem:$0x90]  }
0x118: {  	p1 =	seq.s32 s0, $0x270;
	[tilespmem:$0x140] =	vst v2  }
0x119: {  	s2 =	smul.u32 @!p1 $0xA0, s0;
	[tilespmem:$0x150] =	vst v3  }
0x11a: {  	[tilespmem:$0x160] =	vst v4  }
0x11b: {  	s2 =	sadd.s32 @!p1 s2, s10;
	[tilespmem:$0x170] =	vst v5  }
0x11c: {  	s2 =	sshrl.u32 @!p1 s2, $0x3;
	[tilespmem:$0x180] =	vst v6  }
0x11d: {  	[spmem:s1] =	stream.indirect.scatter.add.f32 [tilespmem:s26], [sflag:$0x5], $0x20, s25, s14, $0xb8;
	[tilespmem:$0x1E320] =	vst v63  }
0x11e: {  	s9 =	simm.s32 @!p1 $0x0;
	s8 =	sadd.s32 @!p1 s6, s2  }
0x11f: {  	[tilespmem:s9], [sflag:$0x1] =	stream.linear.gather @!p1 [hbm4b:s8+s9], $0x50, $0x38;
	[tilespmem:$0x1E320] =	vst v63  }
0x120: {  	s2 =	sadd.s32 @!p1 s7, s2;
	s8 =	simm.s32 @!p1 $0x50  }
0x121: {  	[tilespmem:s8], [sflag:$0x1] =	stream.linear.gather @!p1 [hbm4b:s2+s9], $0x50, $0x38;
	[tilespmem:$0x1E320] =	vst v63  }
0x122: {  	s2 =	simm.s32 @!p1 $0x1  }
0x123: {  	_ =	swait.ge @!p1 [sflag:s2], $0x50  }
0x124: {  	[sflag:s2] =	ssyncset.done @!p1 $0x0  }
0x125: {  	[sflag:s2] =	ssyncadd.s32 @!p1 $0xFFFFFFB0  }
0x126: {  	_ =	swait.ge @!p1 [sflag:s2], $0x50  }
0x127: {  	[sflag:s2] =	ssyncset.done @!p1 $0x0  }
0x128: {  	[sflag:s2] =	ssyncadd.s32 @!p1 $0xFFFFFFB0  }
0x129: {  	v2 =	vld @!p1 [tilespmem:$0x0]  }
0x12a: {  	v3 =	vld @!p1 [tilespmem:$0x50]  }
0x12b: {  	v4 =	vld @!p1 [tilespmem:$0x10]  }
0x12c: {  	v5 =	vld @!p1 [tilespmem:$0x60]  }
0x12d: {  	v6 =	vld @!p1 [tilespmem:$0x20]  }
0x12e: {  	v7 =	vld @!p1 [tilespmem:$0x70];
	v2 =	vadd.s32 @!p1 v0, v2  }
0x12f: {  	[tilespmem:$0xA0] =	vst @!p1 v2;
	v2 =	vadd.s32 @!p1 v0, v3;
	v3 =	vld @!p1 [tilespmem:$0x30]  }
0x130: {  	[tilespmem:$0xF0] =	vst @!p1 v2;
	v2 =	vadd.s32 @!p1 v0, v4;
	v4 =	vld @!p1 [tilespmem:$0x80]  }
0x131: {  	[tilespmem:$0xB0] =	vst @!p1 v2;
	v2 =	vadd.s32 @!p1 v0, v5;
	v5 =	vld @!p1 [tilespmem:$0x40]  }
0x132: {  	[tilespmem:$0x100] =	vst @!p1 v2;
	v2 =	vadd.s32 @!p1 v0, v6;
	v6 =	vld @!p1 [tilespmem:$0x90]  }
0x133: {  	[tilespmem:$0xC0] =	vst @!p1 v2;
	v2 =	vadd.s32 @!p1 v0, v7  }
0x134: {  	[tilespmem:$0x110] =	vst @!p1 v2;
	v2 =	vadd.s32 @!p1 v0, v3  }
0x135: {  	[tilespmem:$0xD0] =	vst @!p1 v2;
	v2 =	vadd.s32 @!p1 v0, v4  }
0x136: {  	[tilespmem:$0x120] =	vst @!p1 v2;
	v2 =	vadd.s32 @!p1 v0, v5  }
0x137: {  	[tilespmem:$0xE0] =	vst @!p1 v2;
	v2 =	vadd.s32 @!p1 v0, v6  }
0x138: {  	s9 =	simm.s32 @!p1 $0x190;
	s2 =	simm.s32 @!p1 $0xA0;
	[tilespmem:$0x130] =	vst @!p1 v2  }
0x139: {  	[tilespmem:s9], [sflag:$0x3] =	stream.indirect.gather @!p1 [hbm4b:s4+s8], $0x10, s2, s8, $0xb8;
	[tilespmem:$0x1E320] =	vst v63  }
0x13a: {  	s2 =	simm.s32 @!p1 $0xF0;
	s9 =	simm.s32 @!p1 $0x690  }
0x13b: {  	[tilespmem:s9], [sflag:$0x3] =	stream.indirect.gather @!p1 [hbm4b:s5+s8], $0x10, s2, s8, $0xb8;
	[tilespmem:$0x1E320] =	vst v63  }
0x13c: {  	_ =	swait.ge [sflag:s28], $0x500  }
0x13d: {  	[sflag:s28] =	ssyncset.done $0x0  }
0x13e: {  	[sflag:s28] =	ssyncadd.s32 $0xFFFFFB00  }
0x13f: {  	_ =	swait.ge [sflag:s28], $0x500  }
0x140: {  	[sflag:s28] =	ssyncset.done $0x0  }
0x141: {  	s2 =	simm.s32 @!p0 $0x6;
	[sflag:s28] =	ssyncadd.s32 $0xFFFFFB00  }
0x142: {  	_ =	swait.ge @!p0 [sflag:s2], $0xA00  }
0x143: {  	[sflag:s2] =	ssyncset.done @!p0 $0x0  }
0x144: {  	s20 =	simm.s32 $0x1740;
	[sflag:s2] =	ssyncadd.s32 @!p0 $0xFFFFF600  }
0x145: {  	s8 =	simm.s32 $0x1C40;
	v2 =	vld [tilespmem:s20+$0x10]  }
0x146: {  	v3 =	vld [tilespmem:s8+$0x10]  }
0x147: {  	v5 =	vld [tilespmem:s8+$0xFFFFFFE0]  }
0x148: {  	v6 =	vld [tilespmem:s20+$0xFFFFFFF0]  }
0x149: {  	v7 =	vld [tilespmem:s8+$0xFFFFFFF0];
	_ =	sdelay $0x2  }
0x14a: {  	v9 =	vshll.u32 v2, $0x10;
	v2 =	vand.u32 $0xFFFF0000, v2  }
0x14b: {  	v12 =	vld [tilespmem:s20+$0x0];
	v10 =	vshll.u32 v3, $0x10;
	v8 =	vand.u32 $0xFFFF0000, v3;
	v4 =	vshll.u32 v5, $0x10  }
0x14c: {  	v3 =	vand.u32 $0xFFFF0000, v5;
	v14 =	vshll.u32 v6, $0x10;
	v5 =	vld [tilespmem:s8+$0x0];
	v11 =	vand.u32 $0xFFFF0000, v7  }
0x14d: {  	v13 =	vadd.f32 v8, v2;
	v8 =	vand.u32 $0xFFFF0000, v6;
	v6 =	vshll.u32 v7, $0x10;
	v7 =	vld [tilespmem:s20+$0xFFFFFFE0];
	_ =	sdelay $0x1  }
0x14e: {  	s2 =	simm.s32 $0x2160;
	v2 =	vadd.f32 v10, v9;
	v13 =	vmax.f32 v13, $0.0e+00  }
0x14f: {  	s9 =	simm.s32 $0x0;
	v10 =	vshll.u32 v12, $0x10;
	s20 =	simm.s32 $0x1780;
	v9 =	vadd.f32 v6, v14;
	v6 =	vand.u32 $0xFFFF0000, v12;
	[tilespmem:s2+$0x30] =	vst v13  }
.LBB2_7:
0x150: {  	v12 =	vld [tilespmem:s20+$0x10];
	v8 =	vadd.f32 v11, v8;
	v11 =	vshll.u32 v5, $0x10;
	v5 =	vand.u32 $0xFFFF0000, v5;
	s8 =	sadd.s32 $0x40, s8  }
0x151: {  	s9 =	sadd.s32 $0x4, s9;
	v13 =	vld [tilespmem:s8+$0x10];
	v14 =	vshll.u32 v7, $0x10;
	v7 =	vand.u32 $0xFFFF0000, v7;
	v10 =	vadd.f32 v11, v10  }
0x152: {  	p0 =	slt.u32 s9, $0x4C;
	v11 =	vld [tilespmem:s8+$0xFFFFFFE0];
	v4 =	vadd.f32 v4, v14;
	v3 =	vadd.f32 v3, v7;
	v7 =	vmax.f32 v9, $0.0e+00  }
0x153: {  	v5 =	vadd.f32 v5, v6;
	v9 =	vld [tilespmem:s20+$0xFFFFFFF0];
	[tilespmem:s2+$0xFFFFFFE0] =	vst v7;
	v7 =	vmax.f32 v8, $0.0e+00;
	v8 =	vmax.f32 v10, $0.0e+00  }
0x154: {  	v10 =	vmax.f32 v2, $0.0e+00;
	v6 =	vld [tilespmem:s8+$0xFFFFFFF0];
	v4 =	vmax.f32 v4, $0.0e+00;
	v3 =	vmax.f32 v3, $0.0e+00;
	[tilespmem:s2+$0xFFFFFFF0] =	vst v7  }
0x155: {  	v15 =	vmax.f32 v5, $0.0e+00;
	v14 =	vld [tilespmem:s20+$0x0];
	v2 =	vshll.u32 v12, $0x10;
	[tilespmem:s2+$0xFFFFFFC0] =	vst v4  }
.Ltmp4:
0x156: {  	v12 =	vand.u32 $0xFFFF0000, v12;
	v5 =	vld [tilespmem:s8+$0x0];
	v16 =	vshll.u32 v13, $0x10;
	v13 =	vand.u32 $0xFFFF0000, v13;
	[tilespmem:s2+$0xFFFFFFD0] =	vst v3;
	(pc) =	sbr.rel @p0 .LBB2_7-.Ltmp4, $4  }
0x157: {  	v7 =	vld [tilespmem:s20+$0xFFFFFFE0];
	v4 =	vshll.u32 v11, $0x10;
	v3 =	vand.u32 $0xFFFF0000, v11;
	v12 =	vadd.f32 v13, v12;
	[tilespmem:s2+$0x0] =	vst v8  }
0x158: {  	v2 =	vadd.f32 v16, v2;
	v13 =	vshll.u32 v9, $0x10;
	v8 =	vand.u32 $0xFFFF0000, v9;
	[tilespmem:s2+$0x10] =	vst v15  }
0x159: {  	v9 =	vshll.u32 v6, $0x10;
	v11 =	vand.u32 $0xFFFF0000, v6;
	v12 =	vmax.f32 v12, $0.0e+00;
	[tilespmem:s2+$0x20] =	vst v10;
	s2 =	sadd.s32 $0x80, s2  }
0x15a: {  	s20 =	sadd.s32 $0x40, s20;
	v9 =	vadd.f32 v9, v13;
	v10 =	vshll.u32 v14, $0x10;
	v6 =	vand.u32 $0xFFFF0000, v14;
	[tilespmem:s2+$0x30] =	vst v12  }
0x15b: {  	v8 =	vadd.f32 v11, v8;
	v57 =	vshll.u32 v5, $0x10;
	v2 =	vmax.f32 v2, $0.0e+00  }
0x15c: {  	v55 =	vshll.u32 v7, $0x10;
	v9 =	vmax.f32 v9, $0.0e+00;
	v60 =	vadd.f32 v57, v10;
	[tilespmem:s2+$0x20] =	vst v2  }
0x15d: {  	v56 =	vand.u32 $0xFFFF0000, v7;
	v4 =	vadd.f32 v4, v55;
	[tilespmem:s2+$0xFFFFFFE0] =	vst v9;
	v58 =	vmax.f32 v8, $0.0e+00  }
0x15e: {  	v59 =	vand.u32 $0xFFFF0000, v5;
	v3 =	vadd.f32 v3, v56;
	[tilespmem:s2+$0xFFFFFFF0] =	vst v58;
	v61 =	vmax.f32 v60, $0.0e+00  }
0x15f: {  	v5 =	vadd.f32 v59, v6;
	v4 =	vmax.f32 v4, $0.0e+00;
	[tilespmem:s2+$0x0] =	vst v61  }
0x160: {  	v3 =	vmax.f32 v3, $0.0e+00;
	[tilespmem:s2+$0xFFFFFFC0] =	vst v4  }
0x161: {  	[tilespmem:s2+$0xFFFFFFD0] =	vst v3;
	v3 =	vmax.f32 v5, $0.0e+00  }
0x162: {  	[tilespmem:s2+$0x10] =	vst v3  }
0x163: {  	v2 =	vld [tilespmem:$0x15E0]  }
0x164: {  	v3 =	vld [tilespmem:$0x15F0]  }
0x165: {  	v4 =	vld [tilespmem:$0x1600]  }
0x166: {  	v62 =	vld [tilespmem:$0x1610]  }
0x167: {  	v63 =	vld [tilespmem:$0x1620]  }
0x168: {  	[tilespmem:$0x16D0] =	vst v2  }
.Ltmp5:
0x169: {  	[tilespmem:$0x16E0] =	vst v3;
	(pc) =	sbr.rel @p1 .LBB2_10-.Ltmp5, $4  }
0x16a: {  	[tilespmem:$0x16F0] =	vst v4  }
0x16b: {  	[tilespmem:$0x1700] =	vst v62  }
0x16c: {  	[tilespmem:$0x1710] =	vst v63  }
0x16d: {  	[spmem:s1] =	stream.indirect.scatter.add.f32 [tilespmem:s30], [sflag:$0x6], $0x20, s29, s14, $0xb8;
	[tilespmem:$0x1E320] =	vst v63  }
0x16e: {  	s2 =	smul.u32 $0xA0, s0;
	_ =	sdelay $0x1  }
0x16f: {  	s2 =	sadd.s32 s2, s11  }
.Ltmp6:
0x170: {  	s2 =	sshrl.u32 s2, $0x3;
	(pc) =	sbr.rel .LBB2_4-.Ltmp6, $4  }
0x171: {  	s8 =	sadd.s32 s6, s2  }
0x172: {  	[tilespmem:s16], [sflag:$0x2] =	stream.linear.gather [hbm4b:s8+s3], $0x50, $0x38;
	[tilespmem:$0x1E320] =	vst v63  }
0x173: {  	s0 =	sadd.s32 $0x1, s0;
	s2 =	sadd.s32 s7, s2  }
0x174: {  	[tilespmem:s17], [sflag:$0x2] =	stream.linear.gather [hbm4b:s2+s3], $0x50, $0x38;
	[tilespmem:$0x1E320] =	vst v63  }
.LBB2_11:
0x175: {  	_ =	sfence.sel $0x180000  }
0x176: {  	[bflag:$0x0] =	sbarrier.arrive $0xFFFF  }
0x177: {  	_ =	strace $0x90000047  }
0x178: {  	s0 =	stileid.u32;
	[bflag:$0x2] =	sbarrier.arrive $0xFFFF  }
0x179: {  	p0 =	sne.s32 s0, $0x0;
	s0 =	rddreg [dreg:$0x2]  }
0x17a: {  	s0 =	sadd.s32 @!p0 $0x100000, s0  }
0x17b: {  	[sflag:s0] =	ssyncadd.tile.s32 @!p0 $0x1;
	_ =	shalt  }
.Lfunc_end2:
_tile_overlayer_lowered:
.L_overlay_start_2:
0x17c: {  	(tag) =	ssettag $0x2  }
0x17d: {  	s0 =	rddreg [dreg:$0x0];
	s2 =	stileid.u32  }
0x17e: {  	s1 =	rddreg [dreg:$0x1];
	p0 =	sne.s32 s2, $0x0  }
0x17f: {  	s3 =	rddreg [dreg:$0x2];
	[bflag:$0x3] =	sbarrier.arrive $0xFFFF;
	s2 =	simm.s32 @!p0 $0x1C07  }
0x180: {  	[timem:s3], [sflag:s2] =	dma.local @!p0 [hbm:s0], s1  }
0x181: {  	s0 =	simm.s32 @!p0 $0x7  }
0x182: {  	_ =	swait.ge @!p0 [sflag:s0], s1  }
0x183: {  	s1 =	ssub.s32 @!p0 $0x0, s1;
	[sflag:s0] =	ssyncset.done @!p0 $0x0  }
0x184: {  	[sflag:s0] =	ssyncadd.s32 @!p0 s1  }
0x185: {  	[bflag:$0x3] =	sbarrier.arrive $0xFFFF  }
0x186: {  	_ =	shalt  }

</sc_bundles>
